<compile_context>
chip_gen: v7x
topology: tpu7x:2x2x1
jax: 0.10.2.dev20260603
libtpu: 0.0.44.dev20260713+nightly
codegen_flags: <defaults>
</compile_context>

<pallas_src>
import jax
import jax.numpy as jnp
from jax import lax
from jax.experimental import pallas as pl
from jax.experimental.pallas import tpu as pltpu
from jax.experimental.pallas import tpu_sc as plsc

_NUM_CORES = 2
_NUM_SUBCORES = 16
_NUM_WORKERS = _NUM_CORES * _NUM_SUBCORES
_LANES = 16
_NBUF = 4


def _make_sc_kernel(P, E, C):
    R = P // _NUM_WORKERS
    J = E // _LANES
    mesh = plsc.VectorSubcoreMesh(core_axis_name="c", subcore_axis_name="s")

    def body(time_hbm, chan_hbm, out_hbm, tbuf, cbuf, obs, sems):
        wid = lax.axis_index("s") * _NUM_CORES + lax.axis_index("c")
        base = wid * R
        pltpu.sync_copy(time_hbm.at[pl.ds(base, R)], tbuf)
        pltpu.sync_copy(chan_hbm, cbuf)

        def compute(c, ob):
            crow = [cbuf[c, pl.ds(j * _LANES, _LANES)] for j in range(J)]

            def row_body(r, carry2):
                for j in range(J):
                    ob[r, pl.ds(j * _LANES, _LANES)] = (
                        tbuf[r, pl.ds(j * _LANES, _LANES)] + crow[j]
                    )
                return carry2

            lax.fori_loop(0, R, row_body, 0)

        def group(i, carry):
            for b in range(_NBUF):
                c = _NBUF * i + b

                @pl.when(i > 0)
                def _(b=b, c=c):
                    pltpu.make_async_copy(
                        obs[b], out_hbm.at[pl.ds((c - _NBUF) * P + base, R)],
                        sems[b],
                    ).wait()

                compute(c, obs[b])
                pltpu.async_copy(
                    obs[b], out_hbm.at[pl.ds(c * P + base, R)], sems[b]
                )
            return carry

        lax.fori_loop(0, C // _NBUF, group, 0)
        for b in range(_NBUF):
            pltpu.make_async_copy(
                obs[b], out_hbm.at[pl.ds((C - _NBUF + b) * P + base, R)],
                sems[b],
            ).wait()

    return pl.kernel(
        body,
        out_type=jax.ShapeDtypeStruct((C * P, E), jnp.float32),
        mesh=mesh,
        scratch_types=[
            pltpu.VMEM((R, E), jnp.float32),
            pltpu.VMEM((C, E), jnp.float32),
            [pltpu.VMEM((R, E), jnp.float32)] * _NBUF,
            [pltpu.SemaphoreType.DMA] * _NBUF,
        ],
    )


def kernel(num_patches_per_channel, num_channels, time_table, channel_table):
    P, E = time_table.shape
    C = channel_table.shape[0]
    return _make_sc_kernel(P, E, C)(time_table, channel_table)

# --- scband reference (transcript-rebuilt; emitter-appended) ---
"""Pipeline reference for scband-positional-embedding2-d-13666585936048 (READ-ONLY COPY).

The authoritative reference and input builder live on the scoring server;
editing this copy changes nothing except your own understanding.
"""

import jax, jax.numpy as jnp
import numpy as np

MAX_PATCHES = 2048
MAX_CHANNELS = 128
EMBED_DIM = 128


def setup_inputs(seed: int = 0) -> dict:
    key = jax.random.key(seed)
    k1, k2 = jax.random.split(key)
    time_table = jax.random.normal(k1, (MAX_PATCHES, EMBED_DIM), dtype=jnp.float32)
    channel_table = jax.random.normal(k2, (MAX_CHANNELS, EMBED_DIM), dtype=jnp.float32)
    return {
        "num_patches_per_channel": 2048,
        "num_channels": 128,
        "time_table": time_table,
        "channel_table": channel_table,
    }


def reference(num_patches_per_channel, num_channels, time_table, channel_table):
    P = time_table.shape[0]
    C = channel_table.shape[0]
    npc = jnp.asarray(num_patches_per_channel, dtype=jnp.int32)
    nch = jnp.asarray(num_channels, dtype=jnp.int32)
    # time positions: [0..P-1] repeated C times (torch .repeat)
    time_pos = jnp.mod(jnp.tile(jnp.arange(P, dtype=jnp.int32), C), npc)
    # channel positions: each channel id repeated P times (torch .repeat_interleave)
    channel_pos = jnp.mod(jnp.repeat(jnp.arange(C, dtype=jnp.int32), P), nch)
    pos_embed = jnp.take(time_table, time_pos, axis=0) + jnp.take(channel_table, channel_pos, axis=0)
    return pos_embed

if __name__ == "__main__":
    import jax
    _d = setup_inputs()
    print(jax.jit(kernel)(*tuple(_d.values())))

</pallas_src>

<mosaic_0001>
#map = affine_map<(d0, d1) -> (0, 0)>
module attributes {stable_mosaic.version = 14 : i64} {
  func.func @body(%arg0: i32, %arg1: i32, %arg2: memref<2048x128xf32, #tpu.memory_space<hbm>>, %arg3: memref<128x128xf32, #tpu.memory_space<hbm>>, %arg4: memref<262144x128xf32, #tpu.memory_space<hbm>>, %arg5: memref<64x128xf32, #tpu.memory_space<vmem>>, %arg6: memref<128x128xf32, #tpu.memory_space<vmem>>, %arg7: memref<64x128xf32, #tpu.memory_space<vmem>>, %arg8: memref<64x128xf32, #tpu.memory_space<vmem>>, %arg9: memref<64x128xf32, #tpu.memory_space<vmem>>, %arg10: memref<64x128xf32, #tpu.memory_space<vmem>>, %arg11: memref<!tpu.dma_semaphore, #tpu.memory_space<semaphore_mem>>, %arg12: memref<!tpu.dma_semaphore, #tpu.memory_space<semaphore_mem>>, %arg13: memref<!tpu.dma_semaphore, #tpu.memory_space<semaphore_mem>>, %arg14: memref<!tpu.dma_semaphore, #tpu.memory_space<semaphore_mem>>) attributes {dimension_semantics = [#tpu.dimension_semantics<core_parallel>, #tpu.dimension_semantics<subcore_parallel>], iteration_bounds = array<i64: 2, 16>, scalar_prefetch = 0 : i64, scratch_operands = 10 : i64, tpu.core_type = #tpu.core_type<sc_vector_subcore>, window_params = [{transform_indices = #map}, {transform_indices = #map}, {transform_indices = #map}]} {
    %mul3A = arith.constant 2 : i32
    %mul3A_0 = arith.muli %arg1, %mul3A : i32
    %add3A = arith.addi %mul3A_0, %arg0 : i32
    %mul3A_1 = arith.constant 64 : i32
    %mul3A_2 = arith.muli %add3A, %mul3A_1 : i32
    "tpu.region"() ({
      %run_scoped3A = tpu.sem_alloc : memref<!tpu.dma_semaphore, #tpu.memory_space<semaphore_mem>>
      %dma_start3A = arith.constant 0 : i32
      %dma_start3A_31 = tpu.memref_slice %arg2[%mul3A_2, %dma_start3A] : memref<2048x128xf32, #tpu.memory_space<hbm>> -> memref<64x128xf32, #tpu.memory_space<hbm>>
      %dma_start3A_32 = arith.constant 0 : i32
      %dma_start3A_33 = tpu.memref_slice %arg2[%mul3A_2, %dma_start3A_32] : memref<2048x128xf32, #tpu.memory_space<hbm>> -> memref<64x128xf32, #tpu.memory_space<hbm>>
      tpu.enqueue_dma source(%dma_start3A_33 : memref<64x128xf32, #tpu.memory_space<hbm>>) target(%arg5 : memref<64x128xf32, #tpu.memory_space<vmem>>) target_semaphore(%run_scoped3A : memref<!tpu.dma_semaphore, #tpu.memory_space<semaphore_mem>>)
      %dma_wait3A_34 = arith.constant 0 : i32
      %dma_wait3A_35 = tpu.memref_slice %arg2[%mul3A_2, %dma_wait3A_34] : memref<2048x128xf32, #tpu.memory_space<hbm>> -> memref<64x128xf32, #tpu.memory_space<hbm>>
      %dma_wait3A_36 = arith.constant 0 : i32
      %dma_wait3A_37 = tpu.memref_slice %arg2[%mul3A_2, %dma_wait3A_36] : memref<2048x128xf32, #tpu.memory_space<hbm>> -> memref<64x128xf32, #tpu.memory_space<hbm>>
      tpu.wait_dma2 semaphore(%run_scoped3A : memref<!tpu.dma_semaphore, #tpu.memory_space<semaphore_mem>>) src(%dma_wait3A_37 : memref<64x128xf32, #tpu.memory_space<hbm>>) dst(%arg5 : memref<64x128xf32, #tpu.memory_space<vmem>>)
      tpu.yield
    }) : () -> ()
    "tpu.region"() ({
      %run_scoped3A = tpu.sem_alloc : memref<!tpu.dma_semaphore, #tpu.memory_space<semaphore_mem>>
      tpu.enqueue_dma source(%arg3 : memref<128x128xf32, #tpu.memory_space<hbm>>) target(%arg6 : memref<128x128xf32, #tpu.memory_space<vmem>>) target_semaphore(%run_scoped3A : memref<!tpu.dma_semaphore, #tpu.memory_space<semaphore_mem>>)
      tpu.wait_dma2 semaphore(%run_scoped3A : memref<!tpu.dma_semaphore, #tpu.memory_space<semaphore_mem>>) src(%arg3 : memref<128x128xf32, #tpu.memory_space<hbm>>) dst(%arg6 : memref<128x128xf32, #tpu.memory_space<vmem>>)
      tpu.yield
    }) : () -> ()
    %scan3A = arith.constant 0 : i32
    %scan3A_3 = arith.constant 0 : i32
    %scan3A_4 = arith.constant 32 : i32
    %scan3A_5 = arith.addi %scan3A_3, %scan3A_4 : i32
    %scan3A_6 = arith.constant 1 : i32
    scf.for %scan3A_31 = %scan3A_3 to %scan3A_5 step %scan3A_6  : i32 {
      %mul3A_32 = arith.constant 4 : i32
      %mul3A_33 = arith.muli %mul3A_32, %scan3A_31 : i32
      %add3A_34 = arith.constant 0 : i32
      %add3A_35 = arith.addi %mul3A_33, %add3A_34 : i32
      %gt3A = arith.constant 0 : i32
      %gt3A_36 = arith.cmpi sgt, %scan3A_31, %gt3A : i32
      %convert_element_type3A = arith.extui %gt3A_36 : i1 to i32
      %cond3A = arith.constant 0 : i32
      %cond3A_37 = arith.cmpi ne, %convert_element_type3A, %cond3A : i32
      scf.if %cond3A_37 {
        %sub3A = arith.constant 4 : i32
        %sub3A_243 = arith.subi %add3A_35, %sub3A : i32
        %mul3A_244 = arith.constant 2048 : i32
        %mul3A_245 = arith.muli %sub3A_243, %mul3A_244 : i32
        %add3A_246 = arith.addi %mul3A_245, %mul3A_2 : i32
        %dma_wait3A_247 = arith.constant 0 : i32
        %dma_wait3A_248 = tpu.memref_slice %arg4[%add3A_246, %dma_wait3A_247] : memref<262144x128xf32, #tpu.memory_space<hbm>> -> memref<64x128xf32, #tpu.memory_space<hbm>>
        %dma_wait3A_249 = arith.constant 0 : i32
        %dma_wait3A_250 = tpu.memref_slice %arg4[%add3A_246, %dma_wait3A_249] : memref<262144x128xf32, #tpu.memory_space<hbm>> -> memref<64x128xf32, #tpu.memory_space<hbm>>
        tpu.wait_dma2 semaphore(%arg11 : memref<!tpu.dma_semaphore, #tpu.memory_space<semaphore_mem>>) src(%arg7 : memref<64x128xf32, #tpu.memory_space<vmem>>) dst(%dma_wait3A_250 : memref<64x128xf32, #tpu.memory_space<hbm>>)
      } else {
      }
      %get3A = arith.index_cast %add3A_35 : i32 to index
      %get3A_38 = arith.constant 0 : index
      %get3A_39 = tpu.vector_load %arg6[%get3A, %get3A_38] {strides = array<i32>} : memref<128x128xf32, #tpu.memory_space<vmem>>, vector<1x16xf32>,
      %get3A_40 = vector.shape_cast %get3A_39 : vector<1x16xf32> to vector<16xf32>
      %get3A_41 = arith.index_cast %add3A_35 : i32 to index
      %get3A_42 = arith.constant 16 : index
      %get3A_43 = tpu.vector_load %arg6[%get3A_41, %get3A_42] {strides = array<i32>} : memref<128x128xf32, #tpu.memory_space<vmem>>, vector<1x16xf32>,
      %get3A_44 = vector.shape_cast %get3A_43 : vector<1x16xf32> to vector<16xf32>
      %get3A_45 = arith.index_cast %add3A_35 : i32 to index
      %get3A_46 = arith.constant 32 : index
      %get3A_47 = tpu.vector_load %arg6[%get3A_45, %get3A_46] {strides = array<i32>} : memref<128x128xf32, #tpu.memory_space<vmem>>, vector<1x16xf32>,
      %get3A_48 = vector.shape_cast %get3A_47 : vector<1x16xf32> to vector<16xf32>
      %get3A_49 = arith.index_cast %add3A_35 : i32 to index
      %get3A_50 = arith.constant 48 : index
      %get3A_51 = tpu.vector_load %arg6[%get3A_49, %get3A_50] {strides = array<i32>} : memref<128x128xf32, #tpu.memory_space<vmem>>, vector<1x16xf32>,
      %get3A_52 = vector.shape_cast %get3A_51 : vector<1x16xf32> to vector<16xf32>
      %get3A_53 = arith.index_cast %add3A_35 : i32 to index
      %get3A_54 = arith.constant 64 : index
      %get3A_55 = tpu.vector_load %arg6[%get3A_53, %get3A_54] {strides = array<i32>} : memref<128x128xf32, #tpu.memory_space<vmem>>, vector<1x16xf32>,
      %get3A_56 = vector.shape_cast %get3A_55 : vector<1x16xf32> to vector<16xf32>
      %get3A_57 = arith.index_cast %add3A_35 : i32 to index
      %get3A_58 = arith.constant 80 : index
      %get3A_59 = tpu.vector_load %arg6[%get3A_57, %get3A_58] {strides = array<i32>} : memref<128x128xf32, #tpu.memory_space<vmem>>, vector<1x16xf32>,
      %get3A_60 = vector.shape_cast %get3A_59 : vector<1x16xf32> to vector<16xf32>
      %get3A_61 = arith.index_cast %add3A_35 : i32 to index
      %get3A_62 = arith.constant 96 : index
      %get3A_63 = tpu.vector_load %arg6[%get3A_61, %get3A_62] {strides = array<i32>} : memref<128x128xf32, #tpu.memory_space<vmem>>, vector<1x16xf32>,
      %get3A_64 = vector.shape_cast %get3A_63 : vector<1x16xf32> to vector<16xf32>
      %get3A_65 = arith.index_cast %add3A_35 : i32 to index
      %get3A_66 = arith.constant 112 : index
      %get3A_67 = tpu.vector_load %arg6[%get3A_65, %get3A_66] {strides = array<i32>} : memref<128x128xf32, #tpu.memory_space<vmem>>, vector<1x16xf32>,
      %get3A_68 = vector.shape_cast %get3A_67 : vector<1x16xf32> to vector<16xf32>
      %scan3A_69 = arith.constant 0 : i32
      %scan3A_70 = arith.constant 0 : i32
      %scan3A_71 = arith.constant 64 : i32
      %scan3A_72 = arith.addi %scan3A_70, %scan3A_71 : i32
      %scan3A_73 = arith.constant 1 : i32
      scf.for %scan3A_243 = %scan3A_70 to %scan3A_72 step %scan3A_73  : i32 {
        %get3A_244 = arith.index_cast %scan3A_243 : i32 to index
        %get3A_245 = arith.constant 0 : index
        %get3A_246 = tpu.vector_load %arg5[%get3A_244, %get3A_245] {strides = array<i32>} : memref<64x128xf32, #tpu.memory_space<vmem>>, vector<1x16xf32>,
        %get3A_247 = vector.shape_cast %get3A_246 : vector<1x16xf32> to vector<16xf32>
        %add3A_248 = arith.addf %get3A_247, %get3A_40 : vector<16xf32>
        %swap3A = arith.index_cast %scan3A_243 : i32 to index
        %swap3A_249 = arith.constant 0 : index
        %swap3A_250 = tpu.vector_load %arg7[%swap3A, %swap3A_249] {strides = array<i32>} : memref<64x128xf32, #tpu.memory_space<vmem>>, vector<1x16xf32>,
        %swap3A_251 = vector.shape_cast %swap3A_250 : vector<1x16xf32> to vector<16xf32>
        %swap3A_252 = vector.shape_cast %add3A_248 : vector<16xf32> to vector<1x16xf32>
        tpu.vector_store %arg7[%swap3A, %swap3A_249], %swap3A_252 {strides = array<i32>} : memref<64x128xf32, #tpu.memory_space<vmem>>, vector<1x16xf32>,
        %get3A_253 = arith.index_cast %scan3A_243 : i32 to index
        %get3A_254 = arith.constant 16 : index
        %get3A_255 = tpu.vector_load %arg5[%get3A_253, %get3A_254] {strides = array<i32>} : memref<64x128xf32, #tpu.memory_space<vmem>>, vector<1x16xf32>,
        %get3A_256 = vector.shape_cast %get3A_255 : vector<1x16xf32> to vector<16xf32>
        %add3A_257 = arith.addf %get3A_256, %get3A_44 : vector<16xf32>
        %swap3A_258 = arith.index_cast %scan3A_243 : i32 to index
        %swap3A_259 = arith.constant 16 : index
        %swap3A_260 = tpu.vector_load %arg7[%swap3A_258, %swap3A_259] {strides = array<i32>} : memref<64x128xf32, #tpu.memory_space<vmem>>, vector<1x16xf32>,
        %swap3A_261 = vector.shape_cast %swap3A_260 : vector<1x16xf32> to vector<16xf32>
        %swap3A_262 = vector.shape_cast %add3A_257 : vector<16xf32> to vector<1x16xf32>
        tpu.vector_store %arg7[%swap3A_258, %swap3A_259], %swap3A_262 {strides = array<i32>} : memref<64x128xf32, #tpu.memory_space<vmem>>, vector<1x16xf32>,
        %get3A_263 = arith.index_cast %scan3A_243 : i32 to index
        %get3A_264 = arith.constant 32 : index
        %get3A_265 = tpu.vector_load %arg5[%get3A_263, %get3A_264] {strides = array<i32>} : memref<64x128xf32, #tpu.memory_space<vmem>>, vector<1x16xf32>,
        %get3A_266 = vector.shape_cast %get3A_265 : vector<1x16xf32> to vector<16xf32>
        %add3A_267 = arith.addf %get3A_266, %get3A_48 : vector<16xf32>
        %swap3A_268 = arith.index_cast %scan3A_243 : i32 to index
        %swap3A_269 = arith.constant 32 : index
        %swap3A_270 = tpu.vector_load %arg7[%swap3A_268, %swap3A_269] {strides = array<i32>} : memref<64x128xf32, #tpu.memory_space<vmem>>, vector<1x16xf32>,
        %swap3A_271 = vector.shape_cast %swap3A_270 : vector<1x16xf32> to vector<16xf32>
        %swap3A_272 = vector.shape_cast %add3A_267 : vector<16xf32> to vector<1x16xf32>
        tpu.vector_store %arg7[%swap3A_268, %swap3A_269], %swap3A_272 {strides = array<i32>} : memref<64x128xf32, #tpu.memory_space<vmem>>, vector<1x16xf32>,
        %get3A_273 = arith.index_cast %scan3A_243 : i32 to index
        %get3A_274 = arith.constant 48 : index
        %get3A_275 = tpu.vector_load %arg5[%get3A_273, %get3A_274] {strides = array<i32>} : memref<64x128xf32, #tpu.memory_space<vmem>>, vector<1x16xf32>,
        %get3A_276 = vector.shape_cast %get3A_275 : vector<1x16xf32> to vector<16xf32>
        %add3A_277 = arith.addf %get3A_276, %get3A_52 : vector<16xf32>
        %swap3A_278 = arith.index_cast %scan3A_243 : i32 to index
        %swap3A_279 = arith.constant 48 : index
        %swap3A_280 = tpu.vector_load %arg7[%swap3A_278, %swap3A_279] {strides = array<i32>} : memref<64x128xf32, #tpu.memory_space<vmem>>, vector<1x16xf32>,
        %swap3A_281 = vector.shape_cast %swap3A_280 : vector<1x16xf32> to vector<16xf32>
        %swap3A_282 = vector.shape_cast %add3A_277 : vector<16xf32> to vector<1x16xf32>
        tpu.vector_store %arg7[%swap3A_278, %swap3A_279], %swap3A_282 {strides = array<i32>} : memref<64x128xf32, #tpu.memory_space<vmem>>, vector<1x16xf32>,
        %get3A_283 = arith.index_cast %scan3A_243 : i32 to index
        %get3A_284 = arith.constant 64 : index
        %get3A_285 = tpu.vector_load %arg5[%get3A_283, %get3A_284] {strides = array<i32>} : memref<64x128xf32, #tpu.memory_space<vmem>>, vector<1x16xf32>,
        %get3A_286 = vector.shape_cast %get3A_285 : vector<1x16xf32> to vector<16xf32>
        %add3A_287 = arith.addf %get3A_286, %get3A_56 : vector<16xf32>
        %swap3A_288 = arith.index_cast %scan3A_243 : i32 to index
        %swap3A_289 = arith.constant 64 : index
        %swap3A_290 = tpu.vector_load %arg7[%swap3A_288, %swap3A_289] {strides = array<i32>} : memref<64x128xf32, #tpu.memory_space<vmem>>, vector<1x16xf32>,
        %swap3A_291 = vector.shape_cast %swap3A_290 : vector<1x16xf32> to vector<16xf32>
        %swap3A_292 = vector.shape_cast %add3A_287 : vector<16xf32> to vector<1x16xf32>
        tpu.vector_store %arg7[%swap3A_288, %swap3A_289], %swap3A_292 {strides = array<i32>} : memref<64x128xf32, #tpu.memory_space<vmem>>, vector<1x16xf32>,
        %get3A_293 = arith.index_cast %scan3A_243 : i32 to index
        %get3A_294 = arith.constant 80 : index
        %get3A_295 = tpu.vector_load %arg5[%get3A_293, %get3A_294] {strides = array<i32>} : memref<64x128xf32, #tpu.memory_space<vmem>>, vector<1x16xf32>,
        %get3A_296 = vector.shape_cast %get3A_295 : vector<1x16xf32> to vector<16xf32>
        %add3A_297 = arith.addf %get3A_296, %get3A_60 : vector<16xf32>
        %swap3A_298 = arith.index_cast %scan3A_243 : i32 to index
        %swap3A_299 = arith.constant 80 : index
        %swap3A_300 = tpu.vector_load %arg7[%swap3A_298, %swap3A_299] {strides = array<i32>} : memref<64x128xf32, #tpu.memory_space<vmem>>, vector<1x16xf32>,
        %swap3A_301 = vector.shape_cast %swap3A_300 : vector<1x16xf32> to vector<16xf32>
        %swap3A_302 = vector.shape_cast %add3A_297 : vector<16xf32> to vector<1x16xf32>
        tpu.vector_store %arg7[%swap3A_298, %swap3A_299], %swap3A_302 {strides = array<i32>} : memref<64x128xf32, #tpu.memory_space<vmem>>, vector<1x16xf32>,
        %get3A_303 = arith.index_cast %scan3A_243 : i32 to index
        %get3A_304 = arith.constant 96 : index
        %get3A_305 = tpu.vector_load %arg5[%get3A_303, %get3A_304] {strides = array<i32>} : memref<64x128xf32, #tpu.memory_space<vmem>>, vector<1x16xf32>,
        %get3A_306 = vector.shape_cast %get3A_305 : vector<1x16xf32> to vector<16xf32>
        %add3A_307 = arith.addf %get3A_306, %get3A_64 : vector<16xf32>
        %swap3A_308 = arith.index_cast %scan3A_243 : i32 to index
        %swap3A_309 = arith.constant 96 : index
        %swap3A_310 = tpu.vector_load %arg7[%swap3A_308, %swap3A_309] {strides = array<i32>} : memref<64x128xf32, #tpu.memory_space<vmem>>, vector<1x16xf32>,
        %swap3A_311 = vector.shape_cast %swap3A_310 : vector<1x16xf32> to vector<16xf32>
        %swap3A_312 = vector.shape_cast %add3A_307 : vector<16xf32> to vector<1x16xf32>
        tpu.vector_store %arg7[%swap3A_308, %swap3A_309], %swap3A_312 {strides = array<i32>} : memref<64x128xf32, #tpu.memory_space<vmem>>, vector<1x16xf32>,
        %get3A_313 = arith.index_cast %scan3A_243 : i32 to index
        %get3A_314 = arith.constant 112 : index
        %get3A_315 = tpu.vector_load %arg5[%get3A_313, %get3A_314] {strides = array<i32>} : memref<64x128xf32, #tpu.memory_space<vmem>>, vector<1x16xf32>,
        %get3A_316 = vector.shape_cast %get3A_315 : vector<1x16xf32> to vector<16xf32>
        %add3A_317 = arith.addf %get3A_316, %get3A_68 : vector<16xf32>
        %swap3A_318 = arith.index_cast %scan3A_243 : i32 to index
        %swap3A_319 = arith.constant 112 : index
        %swap3A_320 = tpu.vector_load %arg7[%swap3A_318, %swap3A_319] {strides = array<i32>} : memref<64x128xf32, #tpu.memory_space<vmem>>, vector<1x16xf32>,
        %swap3A_321 = vector.shape_cast %swap3A_320 : vector<1x16xf32> to vector<16xf32>
        %swap3A_322 = vector.shape_cast %add3A_317 : vector<16xf32> to vector<1x16xf32>
        tpu.vector_store %arg7[%swap3A_318, %swap3A_319], %swap3A_322 {strides = array<i32>} : memref<64x128xf32, #tpu.memory_space<vmem>>, vector<1x16xf32>,
      }
      %scan3A_74 = arith.constant 64 : i32
      %mul3A_75 = arith.constant 2048 : i32
      %mul3A_76 = arith.muli %add3A_35, %mul3A_75 : i32
      %add3A_77 = arith.addi %mul3A_76, %mul3A_2 : i32
      %dma_start3A = arith.constant 0 : i32
      %dma_start3A_78 = tpu.memref_slice %arg4[%add3A_77, %dma_start3A] : memref<262144x128xf32, #tpu.memory_space<hbm>> -> memref<64x128xf32, #tpu.memory_space<hbm>>
      %dma_start3A_79 = arith.constant 0 : i32
      %dma_start3A_80 = tpu.memref_slice %arg4[%add3A_77, %dma_start3A_79] : memref<262144x128xf32, #tpu.memory_space<hbm>> -> memref<64x128xf32, #tpu.memory_space<hbm>>
      tpu.enqueue_dma source(%arg7 : memref<64x128xf32, #tpu.memory_space<vmem>>) target(%dma_start3A_80 : memref<64x128xf32, #tpu.memory_space<hbm>>) target_semaphore(%arg11 : memref<!tpu.dma_semaphore, #tpu.memory_space<semaphore_mem>>)
      %mul3A_81 = arith.constant 4 : i32
      %mul3A_82 = arith.muli %mul3A_81, %scan3A_31 : i32
      %add3A_83 = arith.constant 1 : i32
      %add3A_84 = arith.addi %mul3A_82, %add3A_83 : i32
      %gt3A_85 = arith.constant 0 : i32
      %gt3A_86 = arith.cmpi sgt, %scan3A_31, %gt3A_85 : i32
      %convert_element_type3A_87 = arith.extui %gt3A_86 : i1 to i32
      %cond3A_88 = arith.constant 0 : i32
      %cond3A_89 = arith.cmpi ne, %convert_element_type3A_87, %cond3A_88 : i32
      scf.if %cond3A_89 {
        %sub3A = arith.constant 4 : i32
        %sub3A_243 = arith.subi %add3A_84, %sub3A : i32
        %mul3A_244 = arith.constant 2048 : i32
        %mul3A_245 = arith.muli %sub3A_243, %mul3A_244 : i32
        %add3A_246 = arith.addi %mul3A_245, %mul3A_2 : i32
        %dma_wait3A_247 = arith.constant 0 : i32
        %dma_wait3A_248 = tpu.memref_slice %arg4[%add3A_246, %dma_wait3A_247] : memref<262144x128xf32, #tpu.memory_space<hbm>> -> memref<64x128xf32, #tpu.memory_space<hbm>>
        %dma_wait3A_249 = arith.constant 0 : i32
        %dma_wait3A_250 = tpu.memref_slice %arg4[%add3A_246, %dma_wait3A_249] : memref<262144x128xf32, #tpu.memory_space<hbm>> -> memref<64x128xf32, #tpu.memory_space<hbm>>
        tpu.wait_dma2 semaphore(%arg12 : memref<!tpu.dma_semaphore, #tpu.memory_space<semaphore_mem>>) src(%arg8 : memref<64x128xf32, #tpu.memory_space<vmem>>) dst(%dma_wait3A_250 : memref<64x128xf32, #tpu.memory_space<hbm>>)
      } else {
      }
      %get3A_90 = arith.index_cast %add3A_84 : i32 to index
      %get3A_91 = arith.constant 0 : index
      %get3A_92 = tpu.vector_load %arg6[%get3A_90, %get3A_91] {strides = array<i32>} : memref<128x128xf32, #tpu.memory_space<vmem>>, vector<1x16xf32>,
      %get3A_93 = vector.shape_cast %get3A_92 : vector<1x16xf32> to vector<16xf32>
      %get3A_94 = arith.index_cast %add3A_84 : i32 to index
      %get3A_95 = arith.constant 16 : index
      %get3A_96 = tpu.vector_load %arg6[%get3A_94, %get3A_95] {strides = array<i32>} : memref<128x128xf32, #tpu.memory_space<vmem>>, vector<1x16xf32>,
      %get3A_97 = vector.shape_cast %get3A_96 : vector<1x16xf32> to vector<16xf32>
      %get3A_98 = arith.index_cast %add3A_84 : i32 to index
      %get3A_99 = arith.constant 32 : index
      %get3A_100 = tpu.vector_load %arg6[%get3A_98, %get3A_99] {strides = array<i32>} : memref<128x128xf32, #tpu.memory_space<vmem>>, vector<1x16xf32>,
      %get3A_101 = vector.shape_cast %get3A_100 : vector<1x16xf32> to vector<16xf32>
      %get3A_102 = arith.index_cast %add3A_84 : i32 to index
      %get3A_103 = arith.constant 48 : index
      %get3A_104 = tpu.vector_load %arg6[%get3A_102, %get3A_103] {strides = array<i32>} : memref<128x128xf32, #tpu.memory_space<vmem>>, vector<1x16xf32>,
      %get3A_105 = vector.shape_cast %get3A_104 : vector<1x16xf32> to vector<16xf32>
      %get3A_106 = arith.index_cast %add3A_84 : i32 to index
      %get3A_107 = arith.constant 64 : index
      %get3A_108 = tpu.vector_load %arg6[%get3A_106, %get3A_107] {strides = array<i32>} : memref<128x128xf32, #tpu.memory_space<vmem>>, vector<1x16xf32>,
      %get3A_109 = vector.shape_cast %get3A_108 : vector<1x16xf32> to vector<16xf32>
      %get3A_110 = arith.index_cast %add3A_84 : i32 to index
      %get3A_111 = arith.constant 80 : index
      %get3A_112 = tpu.vector_load %arg6[%get3A_110, %get3A_111] {strides = array<i32>} : memref<128x128xf32, #tpu.memory_space<vmem>>, vector<1x16xf32>,
      %get3A_113 = vector.shape_cast %get3A_112 : vector<1x16xf32> to vector<16xf32>
      %get3A_114 = arith.index_cast %add3A_84 : i32 to index
      %get3A_115 = arith.constant 96 : index
      %get3A_116 = tpu.vector_load %arg6[%get3A_114, %get3A_115] {strides = array<i32>} : memref<128x128xf32, #tpu.memory_space<vmem>>, vector<1x16xf32>,
      %get3A_117 = vector.shape_cast %get3A_116 : vector<1x16xf32> to vector<16xf32>
      %get3A_118 = arith.index_cast %add3A_84 : i32 to index
      %get3A_119 = arith.constant 112 : index
      %get3A_120 = tpu.vector_load %arg6[%get3A_118, %get3A_119] {strides = array<i32>} : memref<128x128xf32, #tpu.memory_space<vmem>>, vector<1x16xf32>,
      %get3A_121 = vector.shape_cast %get3A_120 : vector<1x16xf32> to vector<16xf32>
      %scan3A_122 = arith.constant 0 : i32
      %scan3A_123 = arith.constant 0 : i32
      %scan3A_124 = arith.constant 64 : i32
      %scan3A_125 = arith.addi %scan3A_123, %scan3A_124 : i32
      %scan3A_126 = arith.constant 1 : i32
      scf.for %scan3A_243 = %scan3A_123 to %scan3A_125 step %scan3A_126  : i32 {
        %get3A_244 = arith.index_cast %scan3A_243 : i32 to index
        %get3A_245 = arith.constant 0 : index
        %get3A_246 = tpu.vector_load %arg5[%get3A_244, %get3A_245] {strides = array<i32>} : memref<64x128xf32, #tpu.memory_space<vmem>>, vector<1x16xf32>,
        %get3A_247 = vector.shape_cast %get3A_246 : vector<1x16xf32> to vector<16xf32>
        %add3A_248 = arith.addf %get3A_247, %get3A_93 : vector<16xf32>
        %swap3A = arith.index_cast %scan3A_243 : i32 to index
        %swap3A_249 = arith.constant 0 : index
        %swap3A_250 = tpu.vector_load %arg8[%swap3A, %swap3A_249] {strides = array<i32>} : memref<64x128xf32, #tpu.memory_space<vmem>>, vector<1x16xf32>,
        %swap3A_251 = vector.shape_cast %swap3A_250 : vector<1x16xf32> to vector<16xf32>
        %swap3A_252 = vector.shape_cast %add3A_248 : vector<16xf32> to vector<1x16xf32>
        tpu.vector_store %arg8[%swap3A, %swap3A_249], %swap3A_252 {strides = array<i32>} : memref<64x128xf32, #tpu.memory_space<vmem>>, vector<1x16xf32>,
        %get3A_253 = arith.index_cast %scan3A_243 : i32 to index
        %get3A_254 = arith.constant 16 : index
        %get3A_255 = tpu.vector_load %arg5[%get3A_253, %get3A_254] {strides = array<i32>} : memref<64x128xf32, #tpu.memory_space<vmem>>, vector<1x16xf32>,
        %get3A_256 = vector.shape_cast %get3A_255 : vector<1x16xf32> to vector<16xf32>
        %add3A_257 = arith.addf %get3A_256, %get3A_97 : vector<16xf32>
        %swap3A_258 = arith.index_cast %scan3A_243 : i32 to index
        %swap3A_259 = arith.constant 16 : index
        %swap3A_260 = tpu.vector_load %arg8[%swap3A_258, %swap3A_259] {strides = array<i32>} : memref<64x128xf32, #tpu.memory_space<vmem>>, vector<1x16xf32>,
        %swap3A_261 = vector.shape_cast %swap3A_260 : vector<1x16xf32> to vector<16xf32>
        %swap3A_262 = vector.shape_cast %add3A_257 : vector<16xf32> to vector<1x16xf32>
        tpu.vector_store %arg8[%swap3A_258, %swap3A_259], %swap3A_262 {strides = array<i32>} : memref<64x128xf32, #tpu.memory_space<vmem>>, vector<1x16xf32>,
        %get3A_263 = arith.index_cast %scan3A_243 : i32 to index
        %get3A_264 = arith.constant 32 : index
        %get3A_265 = tpu.vector_load %arg5[%get3A_263, %get3A_264] {strides = array<i32>} : memref<64x128xf32, #tpu.memory_space<vmem>>, vector<1x16xf32>,
        %get3A_266 = vector.shape_cast %get3A_265 : vector<1x16xf32> to vector<16xf32>
        %add3A_267 = arith.addf %get3A_266, %get3A_101 : vector<16xf32>
        %swap3A_268 = arith.index_cast %scan3A_243 : i32 to index
        %swap3A_269 = arith.constant 32 : index
        %swap3A_270 = tpu.vector_load %arg8[%swap3A_268, %swap3A_269] {strides = array<i32>} : memref<64x128xf32, #tpu.memory_space<vmem>>, vector<1x16xf32>,
        %swap3A_271 = vector.shape_cast %swap3A_270 : vector<1x16xf32> to vector<16xf32>
        %swap3A_272 = vector.shape_cast %add3A_267 : vector<16xf32> to vector<1x16xf32>
        tpu.vector_store %arg8[%swap3A_268, %swap3A_269], %swap3A_272 {strides = array<i32>} : memref<64x128xf32, #tpu.memory_space<vmem>>, vector<1x16xf32>,
        %get3A_273 = arith.index_cast %scan3A_243 : i32 to index
        %get3A_274 = arith.constant 48 : index
        %get3A_275 = tpu.vector_load %arg5[%get3A_273, %get3A_274] {strides = array<i32>} : memref<64x128xf32, #tpu.memory_space<vmem>>, vector<1x16xf32>,
        %get3A_276 = vector.shape_cast %get3A_275 : vector<1x16xf32> to vector<16xf32>
        %add3A_277 = arith.addf %get3A_276, %get3A_105 : vector<16xf32>
        %swap3A_278 = arith.index_cast %scan3A_243 : i32 to index
        %swap3A_279 = arith.constant 48 : index
        %swap3A_280 = tpu.vector_load %arg8[%swap3A_278, %swap3A_279] {strides = array<i32>} : memref<64x128xf32, #tpu.memory_space<vmem>>, vector<1x16xf32>,
        %swap3A_281 = vector.shape_cast %swap3A_280 : vector<1x16xf32> to vector<16xf32>
        %swap3A_282 = vector.shape_cast %add3A_277 : vector<16xf32> to vector<1x16xf32>
        tpu.vector_store %arg8[%swap3A_278, %swap3A_279], %swap3A_282 {strides = array<i32>} : memref<64x128xf32, #tpu.memory_space<vmem>>, vector<1x16xf32>,
        %get3A_283 = arith.index_cast %scan3A_243 : i32 to index
        %get3A_284 = arith.constant 64 : index
        %get3A_285 = tpu.vector_load %arg5[%get3A_283, %get3A_284] {strides = array<i32>} : memref<64x128xf32, #tpu.memory_space<vmem>>, vector<1x16xf32>,
        %get3A_286 = vector.shape_cast %get3A_285 : vector<1x16xf32> to vector<16xf32>
        %add3A_287 = arith.addf %get3A_286, %get3A_109 : vector<16xf32>
        %swap3A_288 = arith.index_cast %scan3A_243 : i32 to index
        %swap3A_289 = arith.constant 64 : index
        %swap3A_290 = tpu.vector_load %arg8[%swap3A_288, %swap3A_289] {strides = array<i32>} : memref<64x128xf32, #tpu.memory_space<vmem>>, vector<1x16xf32>,
        %swap3A_291 = vector.shape_cast %swap3A_290 : vector<1x16xf32> to vector<16xf32>
        %swap3A_292 = vector.shape_cast %add3A_287 : vector<16xf32> to vector<1x16xf32>
        tpu.vector_store %arg8[%swap3A_288, %swap3A_289], %swap3A_292 {strides = array<i32>} : memref<64x128xf32, #tpu.memory_space<vmem>>, vector<1x16xf32>,
        %get3A_293 = arith.index_cast %scan3A_243 : i32 to index
        %get3A_294 = arith.constant 80 : index
        %get3A_295 = tpu.vector_load %arg5[%get3A_293, %get3A_294] {strides = array<i32>} : memref<64x128xf32, #tpu.memory_space<vmem>>, vector<1x16xf32>,
        %get3A_296 = vector.shape_cast %get3A_295 : vector<1x16xf32> to vector<16xf32>
        %add3A_297 = arith.addf %get3A_296, %get3A_113 : vector<16xf32>
        %swap3A_298 = arith.index_cast %scan3A_243 : i32 to index
        %swap3A_299 = arith.constant 80 : index
        %swap3A_300 = tpu.vector_load %arg8[%swap3A_298, %swap3A_299] {strides = array<i32>} : memref<64x128xf32, #tpu.memory_space<vmem>>, vector<1x16xf32>,
        %swap3A_301 = vector.shape_cast %swap3A_300 : vector<1x16xf32> to vector<16xf32>
        %swap3A_302 = vector.shape_cast %add3A_297 : vector<16xf32> to vector<1x16xf32>
        tpu.vector_store %arg8[%swap3A_298, %swap3A_299], %swap3A_302 {strides = array<i32>} : memref<64x128xf32, #tpu.memory_space<vmem>>, vector<1x16xf32>,
        %get3A_303 = arith.index_cast %scan3A_243 : i32 to index
        %get3A_304 = arith.constant 96 : index
        %get3A_305 = tpu.vector_load %arg5[%get3A_303, %get3A_304] {strides = array<i32>} : memref<64x128xf32, #tpu.memory_space<vmem>>, vector<1x16xf32>,
        %get3A_306 = vector.shape_cast %get3A_305 : vector<1x16xf32> to vector<16xf32>
        %add3A_307 = arith.addf %get3A_306, %get3A_117 : vector<16xf32>
        %swap3A_308 = arith.index_cast %scan3A_243 : i32 to index
        %swap3A_309 = arith.constant 96 : index
        %swap3A_310 = tpu.vector_load %arg8[%swap3A_308, %swap3A_309] {strides = array<i32>} : memref<64x128xf32, #tpu.memory_space<vmem>>, vector<1x16xf32>,
        %swap3A_311 = vector.shape_cast %swap3A_310 : vector<1x16xf32> to vector<16xf32>
        %swap3A_312 = vector.shape_cast %add3A_307 : vector<16xf32> to vector<1x16xf32>
        tpu.vector_store %arg8[%swap3A_308, %swap3A_309], %swap3A_312 {strides = array<i32>} : memref<64x128xf32, #tpu.memory_space<vmem>>, vector<1x16xf32>,
        %get3A_313 = arith.index_cast %scan3A_243 : i32 to index
        %get3A_314 = arith.constant 112 : index
        %get3A_315 = tpu.vector_load %arg5[%get3A_313, %get3A_314] {strides = array<i32>} : memref<64x128xf32, #tpu.memory_space<vmem>>, vector<1x16xf32>,
        %get3A_316 = vector.shape_cast %get3A_315 : vector<1x16xf32> to vector<16xf32>
        %add3A_317 = arith.addf %get3A_316, %get3A_121 : vector<16xf32>
        %swap3A_318 = arith.index_cast %scan3A_243 : i32 to index
        %swap3A_319 = arith.constant 112 : index
        %swap3A_320 = tpu.vector_load %arg8[%swap3A_318, %swap3A_319] {strides = array<i32>} : memref<64x128xf32, #tpu.memory_space<vmem>>, vector<1x16xf32>,
        %swap3A_321 = vector.shape_cast %swap3A_320 : vector<1x16xf32> to vector<16xf32>
        %swap3A_322 = vector.shape_cast %add3A_317 : vector<16xf32> to vector<1x16xf32>
        tpu.vector_store %arg8[%swap3A_318, %swap3A_319], %swap3A_322 {strides = array<i32>} : memref<64x128xf32, #tpu.memory_space<vmem>>, vector<1x16xf32>,
      }
      %scan3A_127 = arith.constant 64 : i32
      %mul3A_128 = arith.constant 2048 : i32
      %mul3A_129 = arith.muli %add3A_84, %mul3A_128 : i32
      %add3A_130 = arith.addi %mul3A_129, %mul3A_2 : i32
      %dma_start3A_131 = arith.constant 0 : i32
      %dma_start3A_132 = tpu.memref_slice %arg4[%add3A_130, %dma_start3A_131] : memref<262144x128xf32, #tpu.memory_space<hbm>> -> memref<64x128xf32, #tpu.memory_space<hbm>>
      %dma_start3A_133 = arith.constant 0 : i32
      %dma_start3A_134 = tpu.memref_slice %arg4[%add3A_130, %dma_start3A_133] : memref<262144x128xf32, #tpu.memory_space<hbm>> -> memref<64x128xf32, #tpu.memory_space<hbm>>
      tpu.enqueue_dma source(%arg8 : memref<64x128xf32, #tpu.memory_space<vmem>>) target(%dma_start3A_134 : memref<64x128xf32, #tpu.memory_space<hbm>>) target_semaphore(%arg12 : memref<!tpu.dma_semaphore, #tpu.memory_space<semaphore_mem>>)
      %mul3A_135 = arith.constant 4 : i32
      %mul3A_136 = arith.muli %mul3A_135, %scan3A_31 : i32
      %add3A_137 = arith.constant 2 : i32
      %add3A_138 = arith.addi %mul3A_136, %add3A_137 : i32
      %gt3A_139 = arith.constant 0 : i32
      %gt3A_140 = arith.cmpi sgt, %scan3A_31, %gt3A_139 : i32
      %convert_element_type3A_141 = arith.extui %gt3A_140 : i1 to i32
      %cond3A_142 = arith.constant 0 : i32
      %cond3A_143 = arith.cmpi ne, %convert_element_type3A_141, %cond3A_142 : i32
      scf.if %cond3A_143 {
        %sub3A = arith.constant 4 : i32
        %sub3A_243 = arith.subi %add3A_138, %sub3A : i32
        %mul3A_244 = arith.constant 2048 : i32
        %mul3A_245 = arith.muli %sub3A_243, %mul3A_244 : i32
        %add3A_246 = arith.addi %mul3A_245, %mul3A_2 : i32
        %dma_wait3A_247 = arith.constant 0 : i32
        %dma_wait3A_248 = tpu.memref_slice %arg4[%add3A_246, %dma_wait3A_247] : memref<262144x128xf32, #tpu.memory_space<hbm>> -> memref<64x128xf32, #tpu.memory_space<hbm>>
        %dma_wait3A_249 = arith.constant 0 : i32
        %dma_wait3A_250 = tpu.memref_slice %arg4[%add3A_246, %dma_wait3A_249] : memref<262144x128xf32, #tpu.memory_space<hbm>> -> memref<64x128xf32, #tpu.memory_space<hbm>>
        tpu.wait_dma2 semaphore(%arg13 : memref<!tpu.dma_semaphore, #tpu.memory_space<semaphore_mem>>) src(%arg9 : memref<64x128xf32, #tpu.memory_space<vmem>>) dst(%dma_wait3A_250 : memref<64x128xf32, #tpu.memory_space<hbm>>)
      } else {
      }
      %get3A_144 = arith.index_cast %add3A_138 : i32 to index
      %get3A_145 = arith.constant 0 : index
      %get3A_146 = tpu.vector_load %arg6[%get3A_144, %get3A_145] {strides = array<i32>} : memref<128x128xf32, #tpu.memory_space<vmem>>, vector<1x16xf32>,
      %get3A_147 = vector.shape_cast %get3A_146 : vector<1x16xf32> to vector<16xf32>
      %get3A_148 = arith.index_cast %add3A_138 : i32 to index
      %get3A_149 = arith.constant 16 : index
      %get3A_150 = tpu.vector_load %arg6[%get3A_148, %get3A_149] {strides = array<i32>} : memref<128x128xf32, #tpu.memory_space<vmem>>, vector<1x16xf32>,
      %get3A_151 = vector.shape_cast %get3A_150 : vector<1x16xf32> to vector<16xf32>
      %get3A_152 = arith.index_cast %add3A_138 : i32 to index
      %get3A_153 = arith.constant 32 : index
      %get3A_154 = tpu.vector_load %arg6[%get3A_152, %get3A_153] {strides = array<i32>} : memref<128x128xf32, #tpu.memory_space<vmem>>, vector<1x16xf32>,
      %get3A_155 = vector.shape_cast %get3A_154 : vector<1x16xf32> to vector<16xf32>
      %get3A_156 = arith.index_cast %add3A_138 : i32 to index
      %get3A_157 = arith.constant 48 : index
      %get3A_158 = tpu.vector_load %arg6[%get3A_156, %get3A_157] {strides = array<i32>} : memref<128x128xf32, #tpu.memory_space<vmem>>, vector<1x16xf32>,
      %get3A_159 = vector.shape_cast %get3A_158 : vector<1x16xf32> to vector<16xf32>
      %get3A_160 = arith.index_cast %add3A_138 : i32 to index
      %get3A_161 = arith.constant 64 : index
      %get3A_162 = tpu.vector_load %arg6[%get3A_160, %get3A_161] {strides = array<i32>} : memref<128x128xf32, #tpu.memory_space<vmem>>, vector<1x16xf32>,
      %get3A_163 = vector.shape_cast %get3A_162 : vector<1x16xf32> to vector<16xf32>
      %get3A_164 = arith.index_cast %add3A_138 : i32 to index
      %get3A_165 = arith.constant 80 : index
      %get3A_166 = tpu.vector_load %arg6[%get3A_164, %get3A_165] {strides = array<i32>} : memref<128x128xf32, #tpu.memory_space<vmem>>, vector<1x16xf32>,
      %get3A_167 = vector.shape_cast %get3A_166 : vector<1x16xf32> to vector<16xf32>
      %get3A_168 = arith.index_cast %add3A_138 : i32 to index
      %get3A_169 = arith.constant 96 : index
      %get3A_170 = tpu.vector_load %arg6[%get3A_168, %get3A_169] {strides = array<i32>} : memref<128x128xf32, #tpu.memory_space<vmem>>, vector<1x16xf32>,
      %get3A_171 = vector.shape_cast %get3A_170 : vector<1x16xf32> to vector<16xf32>
      %get3A_172 = arith.index_cast %add3A_138 : i32 to index
      %get3A_173 = arith.constant 112 : index
      %get3A_174 = tpu.vector_load %arg6[%get3A_172, %get3A_173] {strides = array<i32>} : memref<128x128xf32, #tpu.memory_space<vmem>>, vector<1x16xf32>,
      %get3A_175 = vector.shape_cast %get3A_174 : vector<1x16xf32> to vector<16xf32>
      %scan3A_176 = arith.constant 0 : i32
      %scan3A_177 = arith.constant 0 : i32
      %scan3A_178 = arith.constant 64 : i32
      %scan3A_179 = arith.addi %scan3A_177, %scan3A_178 : i32
      %scan3A_180 = arith.constant 1 : i32
      scf.for %scan3A_243 = %scan3A_177 to %scan3A_179 step %scan3A_180  : i32 {
        %get3A_244 = arith.index_cast %scan3A_243 : i32 to index
        %get3A_245 = arith.constant 0 : index
        %get3A_246 = tpu.vector_load %arg5[%get3A_244, %get3A_245] {strides = array<i32>} : memref<64x128xf32, #tpu.memory_space<vmem>>, vector<1x16xf32>,
        %get3A_247 = vector.shape_cast %get3A_246 : vector<1x16xf32> to vector<16xf32>
        %add3A_248 = arith.addf %get3A_247, %get3A_147 : vector<16xf32>
        %swap3A = arith.index_cast %scan3A_243 : i32 to index
        %swap3A_249 = arith.constant 0 : index
        %swap3A_250 = tpu.vector_load %arg9[%swap3A, %swap3A_249] {strides = array<i32>} : memref<64x128xf32, #tpu.memory_space<vmem>>, vector<1x16xf32>,
        %swap3A_251 = vector.shape_cast %swap3A_250 : vector<1x16xf32> to vector<16xf32>
        %swap3A_252 = vector.shape_cast %add3A_248 : vector<16xf32> to vector<1x16xf32>
        tpu.vector_store %arg9[%swap3A, %swap3A_249], %swap3A_252 {strides = array<i32>} : memref<64x128xf32, #tpu.memory_space<vmem>>, vector<1x16xf32>,
        %get3A_253 = arith.index_cast %scan3A_243 : i32 to index
        %get3A_254 = arith.constant 16 : index
        %get3A_255 = tpu.vector_load %arg5[%get3A_253, %get3A_254] {strides = array<i32>} : memref<64x128xf32, #tpu.memory_space<vmem>>, vector<1x16xf32>,
        %get3A_256 = vector.shape_cast %get3A_255 : vector<1x16xf32> to vector<16xf32>
        %add3A_257 = arith.addf %get3A_256, %get3A_151 : vector<16xf32>
        %swap3A_258 = arith.index_cast %scan3A_243 : i32 to index
        %swap3A_259 = arith.constant 16 : index
        %swap3A_260 = tpu.vector_load %arg9[%swap3A_258, %swap3A_259] {strides = array<i32>} : memref<64x128xf32, #tpu.memory_space<vmem>>, vector<1x16xf32>,
        %swap3A_261 = vector.shape_cast %swap3A_260 : vector<1x16xf32> to vector<16xf32>
        %swap3A_262 = vector.shape_cast %add3A_257 : vector<16xf32> to vector<1x16xf32>
        tpu.vector_store %arg9[%swap3A_258, %swap3A_259], %swap3A_262 {strides = array<i32>} : memref<64x128xf32, #tpu.memory_space<vmem>>, vector<1x16xf32>,
        %get3A_263 = arith.index_cast %scan3A_243 : i32 to index
        %get3A_264 = arith.constant 32 : index
        %get3A_265 = tpu.vector_load %arg5[%get3A_263, %get3A_264] {strides = array<i32>} : memref<64x128xf32, #tpu.memory_space<vmem>>, vector<1x16xf32>,
        %get3A_266 = vector.shape_cast %get3A_265 : vector<1x16xf32> to vector<16xf32>
        %add3A_267 = arith.addf %get3A_266, %get3A_155 : vector<16xf32>
        %swap3A_268 = arith.index_cast %scan3A_243 : i32 to index
        %swap3A_269 = arith.constant 32 : index
        %swap3A_270 = tpu.vector_load %arg9[%swap3A_268, %swap3A_269] {strides = array<i32>} : memref<64x128xf32, #tpu.memory_space<vmem>>, vector<1x16xf32>,
        %swap3A_271 = vector.shape_cast %swap3A_270 : vector<1x16xf32> to vector<16xf32>
        %swap3A_272 = vector.shape_cast %add3A_267 : vector<16xf32> to vector<1x16xf32>
        tpu.vector_store %arg9[%swap3A_268, %swap3A_269], %swap3A_272 {strides = array<i32>} : memref<64x128xf32, #tpu.memory_space<vmem>>, vector<1x16xf32>,
        %get3A_273 = arith.index_cast %scan3A_243 : i32 to index
        %get3A_274 = arith.constant 48 : index
        %get3A_275 = tpu.vector_load %arg5[%get3A_273, %get3A_274] {strides = array<i32>} : memref<64x128xf32, #tpu.memory_space<vmem>>, vector<1x16xf32>,
        %get3A_276 = vector.shape_cast %get3A_275 : vector<1x16xf32> to vector<16xf32>
        %add3A_277 = arith.addf %get3A_276, %get3A_159 : vector<16xf32>
        %swap3A_278 = arith.index_cast %scan3A_243 : i32 to index
        %swap3A_279 = arith.constant 48 : index
        %swap3A_280 = tpu.vector_load %arg9[%swap3A_278, %swap3A_279] {strides = array<i32>} : memref<64x128xf32, #tpu.memory_space<vmem>>, vector<1x16xf32>,
        %swap3A_281 = vector.shape_cast %swap3A_280 : vector<1x16xf32> to vector<16xf32>
        %swap3A_282 = vector.shape_cast %add3A_277 : vector<16xf32> to vector<1x16xf32>
        tpu.vector_store %arg9[%swap3A_278, %swap3A_279], %swap3A_282 {strides = array<i32>} : memref<64x128xf32, #tpu.memory_space<vmem>>, vector<1x16xf32>,
        %get3A_283 = arith.index_cast %scan3A_243 : i32 to index
        %get3A_284 = arith.constant 64 : index
        %get3A_285 = tpu.vector_load %arg5[%get3A_283, %get3A_284] {strides = array<i32>} : memref<64x128xf32, #tpu.memory_space<vmem>>, vector<1x16xf32>,
        %get3A_286 = vector.shape_cast %get3A_285 : vector<1x16xf32> to vector<16xf32>
        %add3A_287 = arith.addf %get3A_286, %get3A_163 : vector<16xf32>
        %swap3A_288 = arith.index_cast %scan3A_243 : i32 to index
        %swap3A_289 = arith.constant 64 : index
        %swap3A_290 = tpu.vector_load %arg9[%swap3A_288, %swap3A_289] {strides = array<i32>} : memref<64x128xf32, #tpu.memory_space<vmem>>, vector<1x16xf32>,
        %swap3A_291 = vector.shape_cast %swap3A_290 : vector<1x16xf32> to vector<16xf32>
        %swap3A_292 = vector.shape_cast %add3A_287 : vector<16xf32> to vector<1x16xf32>
        tpu.vector_store %arg9[%swap3A_288, %swap3A_289], %swap3A_292 {strides = array<i32>} : memref<64x128xf32, #tpu.memory_space<vmem>>, vector<1x16xf32>,
        %get3A_293 = arith.index_cast %scan3A_243 : i32 to index
        %get3A_294 = arith.constant 80 : index
        %get3A_295 = tpu.vector_load %arg5[%get3A_293, %get3A_294] {strides = array<i32>} : memref<64x128xf32, #tpu.memory_space<vmem>>, vector<1x16xf32>,
        %get3A_296 = vector.shape_cast %get3A_295 : vector<1x16xf32> to vector<16xf32>
        %add3A_297 = arith.addf %get3A_296, %get3A_167 : vector<16xf32>
        %swap3A_298 = arith.index_cast %scan3A_243 : i32 to index
        %swap3A_299 = arith.constant 80 : index
        %swap3A_300 = tpu.vector_load %arg9[%swap3A_298, %swap3A_299] {strides = array<i32>} : memref<64x128xf32, #tpu.memory_space<vmem>>, vector<1x16xf32>,
        %swap3A_301 = vector.shape_cast %swap3A_300 : vector<1x16xf32> to vector<16xf32>
        %swap3A_302 = vector.shape_cast %add3A_297 : vector<16xf32> to vector<1x16xf32>
        tpu.vector_store %arg9[%swap3A_298, %swap3A_299], %swap3A_302 {strides = array<i32>} : memref<64x128xf32, #tpu.memory_space<vmem>>, vector<1x16xf32>,
        %get3A_303 = arith.index_cast %scan3A_243 : i32 to index
        %get3A_304 = arith.constant 96 : index
        %get3A_305 = tpu.vector_load %arg5[%get3A_303, %get3A_304] {strides = array<i32>} : memref<64x128xf32, #tpu.memory_space<vmem>>, vector<1x16xf32>,
        %get3A_306 = vector.shape_cast %get3A_305 : vector<1x16xf32> to vector<16xf32>
        %add3A_307 = arith.addf %get3A_306, %get3A_171 : vector<16xf32>
        %swap3A_308 = arith.index_cast %scan3A_243 : i32 to index
        %swap3A_309 = arith.constant 96 : index
        %swap3A_310 = tpu.vector_load %arg9[%swap3A_308, %swap3A_309] {strides = array<i32>} : memref<64x128xf32, #tpu.memory_space<vmem>>, vector<1x16xf32>,
        %swap3A_311 = vector.shape_cast %swap3A_310 : vector<1x16xf32> to vector<16xf32>
        %swap3A_312 = vector.shape_cast %add3A_307 : vector<16xf32> to vector<1x16xf32>
        tpu.vector_store %arg9[%swap3A_308, %swap3A_309], %swap3A_312 {strides = array<i32>} : memref<64x128xf32, #tpu.memory_space<vmem>>, vector<1x16xf32>,
        %get3A_313 = arith.index_cast %scan3A_243 : i32 to index
        %get3A_314 = arith.constant 112 : index
        %get3A_315 = tpu.vector_load %arg5[%get3A_313, %get3A_314] {strides = array<i32>} : memref<64x128xf32, #tpu.memory_space<vmem>>, vector<1x16xf32>,
        %get3A_316 = vector.shape_cast %get3A_315 : vector<1x16xf32> to vector<16xf32>
        %add3A_317 = arith.addf %get3A_316, %get3A_175 : vector<16xf32>
        %swap3A_318 = arith.index_cast %scan3A_243 : i32 to index
        %swap3A_319 = arith.constant 112 : index
        %swap3A_320 = tpu.vector_load %arg9[%swap3A_318, %swap3A_319] {strides = array<i32>} : memref<64x128xf32, #tpu.memory_space<vmem>>, vector<1x16xf32>,
        %swap3A_321 = vector.shape_cast %swap3A_320 : vector<1x16xf32> to vector<16xf32>
        %swap3A_322 = vector.shape_cast %add3A_317 : vector<16xf32> to vector<1x16xf32>
        tpu.vector_store %arg9[%swap3A_318, %swap3A_319], %swap3A_322 {strides = array<i32>} : memref<64x128xf32, #tpu.memory_space<vmem>>, vector<1x16xf32>,
      }
      %scan3A_181 = arith.constant 64 : i32
      %mul3A_182 = arith.constant 2048 : i32
      %mul3A_183 = arith.muli %add3A_138, %mul3A_182 : i32
      %add3A_184 = arith.addi %mul3A_183, %mul3A_2 : i32
      %dma_start3A_185 = arith.constant 0 : i32
      %dma_start3A_186 = tpu.memref_slice %arg4[%add3A_184, %dma_start3A_185] : memref<262144x128xf32, #tpu.memory_space<hbm>> -> memref<64x128xf32, #tpu.memory_space<hbm>>
      %dma_start3A_187 = arith.constant 0 : i32
      %dma_start3A_188 = tpu.memref_slice %arg4[%add3A_184, %dma_start3A_187] : memref<262144x128xf32, #tpu.memory_space<hbm>> -> memref<64x128xf32, #tpu.memory_space<hbm>>
      tpu.enqueue_dma source(%arg9 : memref<64x128xf32, #tpu.memory_space<vmem>>) target(%dma_start3A_188 : memref<64x128xf32, #tpu.memory_space<hbm>>) target_semaphore(%arg13 : memref<!tpu.dma_semaphore, #tpu.memory_space<semaphore_mem>>)
      %mul3A_189 = arith.constant 4 : i32
      %mul3A_190 = arith.muli %mul3A_189, %scan3A_31 : i32
      %add3A_191 = arith.constant 3 : i32
      %add3A_192 = arith.addi %mul3A_190, %add3A_191 : i32
      %gt3A_193 = arith.constant 0 : i32
      %gt3A_194 = arith.cmpi sgt, %scan3A_31, %gt3A_193 : i32
      %convert_element_type3A_195 = arith.extui %gt3A_194 : i1 to i32
      %cond3A_196 = arith.constant 0 : i32
      %cond3A_197 = arith.cmpi ne, %convert_element_type3A_195, %cond3A_196 : i32
      scf.if %cond3A_197 {
        %sub3A = arith.constant 4 : i32
        %sub3A_243 = arith.subi %add3A_192, %sub3A : i32
        %mul3A_244 = arith.constant 2048 : i32
        %mul3A_245 = arith.muli %sub3A_243, %mul3A_244 : i32
        %add3A_246 = arith.addi %mul3A_245, %mul3A_2 : i32
        %dma_wait3A_247 = arith.constant 0 : i32
        %dma_wait3A_248 = tpu.memref_slice %arg4[%add3A_246, %dma_wait3A_247] : memref<262144x128xf32, #tpu.memory_space<hbm>> -> memref<64x128xf32, #tpu.memory_space<hbm>>
        %dma_wait3A_249 = arith.constant 0 : i32
        %dma_wait3A_250 = tpu.memref_slice %arg4[%add3A_246, %dma_wait3A_249] : memref<262144x128xf32, #tpu.memory_space<hbm>> -> memref<64x128xf32, #tpu.memory_space<hbm>>
        tpu.wait_dma2 semaphore(%arg14 : memref<!tpu.dma_semaphore, #tpu.memory_space<semaphore_mem>>) src(%arg10 : memref<64x128xf32, #tpu.memory_space<vmem>>) dst(%dma_wait3A_250 : memref<64x128xf32, #tpu.memory_space<hbm>>)
      } else {
      }
      %get3A_198 = arith.index_cast %add3A_192 : i32 to index
      %get3A_199 = arith.constant 0 : index
      %get3A_200 = tpu.vector_load %arg6[%get3A_198, %get3A_199] {strides = array<i32>} : memref<128x128xf32, #tpu.memory_space<vmem>>, vector<1x16xf32>,
      %get3A_201 = vector.shape_cast %get3A_200 : vector<1x16xf32> to vector<16xf32>
      %get3A_202 = arith.index_cast %add3A_192 : i32 to index
      %get3A_203 = arith.constant 16 : index
      %get3A_204 = tpu.vector_load %arg6[%get3A_202, %get3A_203] {strides = array<i32>} : memref<128x128xf32, #tpu.memory_space<vmem>>, vector<1x16xf32>,
      %get3A_205 = vector.shape_cast %get3A_204 : vector<1x16xf32> to vector<16xf32>
      %get3A_206 = arith.index_cast %add3A_192 : i32 to index
      %get3A_207 = arith.constant 32 : index
      %get3A_208 = tpu.vector_load %arg6[%get3A_206, %get3A_207] {strides = array<i32>} : memref<128x128xf32, #tpu.memory_space<vmem>>, vector<1x16xf32>,
      %get3A_209 = vector.shape_cast %get3A_208 : vector<1x16xf32> to vector<16xf32>
      %get3A_210 = arith.index_cast %add3A_192 : i32 to index
      %get3A_211 = arith.constant 48 : index
      %get3A_212 = tpu.vector_load %arg6[%get3A_210, %get3A_211] {strides = array<i32>} : memref<128x128xf32, #tpu.memory_space<vmem>>, vector<1x16xf32>,
      %get3A_213 = vector.shape_cast %get3A_212 : vector<1x16xf32> to vector<16xf32>
      %get3A_214 = arith.index_cast %add3A_192 : i32 to index
      %get3A_215 = arith.constant 64 : index
      %get3A_216 = tpu.vector_load %arg6[%get3A_214, %get3A_215] {strides = array<i32>} : memref<128x128xf32, #tpu.memory_space<vmem>>, vector<1x16xf32>,
      %get3A_217 = vector.shape_cast %get3A_216 : vector<1x16xf32> to vector<16xf32>
      %get3A_218 = arith.index_cast %add3A_192 : i32 to index
      %get3A_219 = arith.constant 80 : index
      %get3A_220 = tpu.vector_load %arg6[%get3A_218, %get3A_219] {strides = array<i32>} : memref<128x128xf32, #tpu.memory_space<vmem>>, vector<1x16xf32>,
      %get3A_221 = vector.shape_cast %get3A_220 : vector<1x16xf32> to vector<16xf32>
      %get3A_222 = arith.index_cast %add3A_192 : i32 to index
      %get3A_223 = arith.constant 96 : index
      %get3A_224 = tpu.vector_load %arg6[%get3A_222, %get3A_223] {strides = array<i32>} : memref<128x128xf32, #tpu.memory_space<vmem>>, vector<1x16xf32>,
      %get3A_225 = vector.shape_cast %get3A_224 : vector<1x16xf32> to vector<16xf32>
      %get3A_226 = arith.index_cast %add3A_192 : i32 to index
      %get3A_227 = arith.constant 112 : index
      %get3A_228 = tpu.vector_load %arg6[%get3A_226, %get3A_227] {strides = array<i32>} : memref<128x128xf32, #tpu.memory_space<vmem>>, vector<1x16xf32>,
      %get3A_229 = vector.shape_cast %get3A_228 : vector<1x16xf32> to vector<16xf32>
      %scan3A_230 = arith.constant 0 : i32
      %scan3A_231 = arith.constant 0 : i32
      %scan3A_232 = arith.constant 64 : i32
      %scan3A_233 = arith.addi %scan3A_231, %scan3A_232 : i32
      %scan3A_234 = arith.constant 1 : i32
      scf.for %scan3A_243 = %scan3A_231 to %scan3A_233 step %scan3A_234  : i32 {
        %get3A_244 = arith.index_cast %scan3A_243 : i32 to index
        %get3A_245 = arith.constant 0 : index
        %get3A_246 = tpu.vector_load %arg5[%get3A_244, %get3A_245] {strides = array<i32>} : memref<64x128xf32, #tpu.memory_space<vmem>>, vector<1x16xf32>,
        %get3A_247 = vector.shape_cast %get3A_246 : vector<1x16xf32> to vector<16xf32>
        %add3A_248 = arith.addf %get3A_247, %get3A_201 : vector<16xf32>
        %swap3A = arith.index_cast %scan3A_243 : i32 to index
        %swap3A_249 = arith.constant 0 : index
        %swap3A_250 = tpu.vector_load %arg10[%swap3A, %swap3A_249] {strides = array<i32>} : memref<64x128xf32, #tpu.memory_space<vmem>>, vector<1x16xf32>,
        %swap3A_251 = vector.shape_cast %swap3A_250 : vector<1x16xf32> to vector<16xf32>
        %swap3A_252 = vector.shape_cast %add3A_248 : vector<16xf32> to vector<1x16xf32>
        tpu.vector_store %arg10[%swap3A, %swap3A_249], %swap3A_252 {strides = array<i32>} : memref<64x128xf32, #tpu.memory_space<vmem>>, vector<1x16xf32>,
        %get3A_253 = arith.index_cast %scan3A_243 : i32 to index
        %get3A_254 = arith.constant 16 : index
        %get3A_255 = tpu.vector_load %arg5[%get3A_253, %get3A_254] {strides = array<i32>} : memref<64x128xf32, #tpu.memory_space<vmem>>, vector<1x16xf32>,
        %get3A_256 = vector.shape_cast %get3A_255 : vector<1x16xf32> to vector<16xf32>
        %add3A_257 = arith.addf %get3A_256, %get3A_205 : vector<16xf32>
        %swap3A_258 = arith.index_cast %scan3A_243 : i32 to index
        %swap3A_259 = arith.constant 16 : index
        %swap3A_260 = tpu.vector_load %arg10[%swap3A_258, %swap3A_259] {strides = array<i32>} : memref<64x128xf32, #tpu.memory_space<vmem>>, vector<1x16xf32>,
        %swap3A_261 = vector.shape_cast %swap3A_260 : vector<1x16xf32> to vector<16xf32>
        %swap3A_262 = vector.shape_cast %add3A_257 : vector<16xf32> to vector<1x16xf32>
        tpu.vector_store %arg10[%swap3A_258, %swap3A_259], %swap3A_262 {strides = array<i32>} : memref<64x128xf32, #tpu.memory_space<vmem>>, vector<1x16xf32>,
        %get3A_263 = arith.index_cast %scan3A_243 : i32 to index
        %get3A_264 = arith.constant 32 : index
        %get3A_265 = tpu.vector_load %arg5[%get3A_263, %get3A_264] {strides = array<i32>} : memref<64x128xf32, #tpu.memory_space<vmem>>, vector<1x16xf32>,
        %get3A_266 = vector.shape_cast %get3A_265 : vector<1x16xf32> to vector<16xf32>
        %add3A_267 = arith.addf %get3A_266, %get3A_209 : vector<16xf32>
        %swap3A_268 = arith.index_cast %scan3A_243 : i32 to index
        %swap3A_269 = arith.constant 32 : index
        %swap3A_270 = tpu.vector_load %arg10[%swap3A_268, %swap3A_269] {strides = array<i32>} : memref<64x128xf32, #tpu.memory_space<vmem>>, vector<1x16xf32>,
        %swap3A_271 = vector.shape_cast %swap3A_270 : vector<1x16xf32> to vector<16xf32>
        %swap3A_272 = vector.shape_cast %add3A_267 : vector<16xf32> to vector<1x16xf32>
        tpu.vector_store %arg10[%swap3A_268, %swap3A_269], %swap3A_272 {strides = array<i32>} : memref<64x128xf32, #tpu.memory_space<vmem>>, vector<1x16xf32>,
        %get3A_273 = arith.index_cast %scan3A_243 : i32 to index
        %get3A_274 = arith.constant 48 : index
        %get3A_275 = tpu.vector_load %arg5[%get3A_273, %get3A_274] {strides = array<i32>} : memref<64x128xf32, #tpu.memory_space<vmem>>, vector<1x16xf32>,
        %get3A_276 = vector.shape_cast %get3A_275 : vector<1x16xf32> to vector<16xf32>
        %add3A_277 = arith.addf %get3A_276, %get3A_213 : vector<16xf32>
        %swap3A_278 = arith.index_cast %scan3A_243 : i32 to index
        %swap3A_279 = arith.constant 48 : index
        %swap3A_280 = tpu.vector_load %arg10[%swap3A_278, %swap3A_279] {strides = array<i32>} : memref<64x128xf32, #tpu.memory_space<vmem>>, vector<1x16xf32>,
        %swap3A_281 = vector.shape_cast %swap3A_280 : vector<1x16xf32> to vector<16xf32>
        %swap3A_282 = vector.shape_cast %add3A_277 : vector<16xf32> to vector<1x16xf32>
        tpu.vector_store %arg10[%swap3A_278, %swap3A_279], %swap3A_282 {strides = array<i32>} : memref<64x128xf32, #tpu.memory_space<vmem>>, vector<1x16xf32>,
        %get3A_283 = arith.index_cast %scan3A_243 : i32 to index
        %get3A_284 = arith.constant 64 : index
        %get3A_285 = tpu.vector_load %arg5[%get3A_283, %get3A_284] {strides = array<i32>} : memref<64x128xf32, #tpu.memory_space<vmem>>, vector<1x16xf32>,
        %get3A_286 = vector.shape_cast %get3A_285 : vector<1x16xf32> to vector<16xf32>
        %add3A_287 = arith.addf %get3A_286, %get3A_217 : vector<16xf32>
        %swap3A_288 = arith.index_cast %scan3A_243 : i32 to index
        %swap3A_289 = arith.constant 64 : index
        %swap3A_290 = tpu.vector_load %arg10[%swap3A_288, %swap3A_289] {strides = array<i32>} : memref<64x128xf32, #tpu.memory_space<vmem>>, vector<1x16xf32>,
        %swap3A_291 = vector.shape_cast %swap3A_290 : vector<1x16xf32> to vector<16xf32>
        %swap3A_292 = vector.shape_cast %add3A_287 : vector<16xf32> to vector<1x16xf32>
        tpu.vector_store %arg10[%swap3A_288, %swap3A_289], %swap3A_292 {strides = array<i32>} : memref<64x128xf32, #tpu.memory_space<vmem>>, vector<1x16xf32>,
        %get3A_293 = arith.index_cast %scan3A_243 : i32 to index
        %get3A_294 = arith.constant 80 : index
        %get3A_295 = tpu.vector_load %arg5[%get3A_293, %get3A_294] {strides = array<i32>} : memref<64x128xf32, #tpu.memory_space<vmem>>, vector<1x16xf32>,
        %get3A_296 = vector.shape_cast %get3A_295 : vector<1x16xf32> to vector<16xf32>
        %add3A_297 = arith.addf %get3A_296, %get3A_221 : vector<16xf32>
        %swap3A_298 = arith.index_cast %scan3A_243 : i32 to index
        %swap3A_299 = arith.constant 80 : index
        %swap3A_300 = tpu.vector_load %arg10[%swap3A_298, %swap3A_299] {strides = array<i32>} : memref<64x128xf32, #tpu.memory_space<vmem>>, vector<1x16xf32>,
        %swap3A_301 = vector.shape_cast %swap3A_300 : vector<1x16xf32> to vector<16xf32>
        %swap3A_302 = vector.shape_cast %add3A_297 : vector<16xf32> to vector<1x16xf32>
        tpu.vector_store %arg10[%swap3A_298, %swap3A_299], %swap3A_302 {strides = array<i32>} : memref<64x128xf32, #tpu.memory_space<vmem>>, vector<1x16xf32>,
        %get3A_303 = arith.index_cast %scan3A_243 : i32 to index
        %get3A_304 = arith.constant 96 : index
        %get3A_305 = tpu.vector_load %arg5[%get3A_303, %get3A_304] {strides = array<i32>} : memref<64x128xf32, #tpu.memory_space<vmem>>, vector<1x16xf32>,
        %get3A_306 = vector.shape_cast %get3A_305 : vector<1x16xf32> to vector<16xf32>
        %add3A_307 = arith.addf %get3A_306, %get3A_225 : vector<16xf32>
        %swap3A_308 = arith.index_cast %scan3A_243 : i32 to index
        %swap3A_309 = arith.constant 96 : index
        %swap3A_310 = tpu.vector_load %arg10[%swap3A_308, %swap3A_309] {strides = array<i32>} : memref<64x128xf32, #tpu.memory_space<vmem>>, vector<1x16xf32>,
        %swap3A_311 = vector.shape_cast %swap3A_310 : vector<1x16xf32> to vector<16xf32>
        %swap3A_312 = vector.shape_cast %add3A_307 : vector<16xf32> to vector<1x16xf32>
        tpu.vector_store %arg10[%swap3A_308, %swap3A_309], %swap3A_312 {strides = array<i32>} : memref<64x128xf32, #tpu.memory_space<vmem>>, vector<1x16xf32>,
        %get3A_313 = arith.index_cast %scan3A_243 : i32 to index
        %get3A_314 = arith.constant 112 : index
        %get3A_315 = tpu.vector_load %arg5[%get3A_313, %get3A_314] {strides = array<i32>} : memref<64x128xf32, #tpu.memory_space<vmem>>, vector<1x16xf32>,
        %get3A_316 = vector.shape_cast %get3A_315 : vector<1x16xf32> to vector<16xf32>
        %add3A_317 = arith.addf %get3A_316, %get3A_229 : vector<16xf32>
        %swap3A_318 = arith.index_cast %scan3A_243 : i32 to index
        %swap3A_319 = arith.constant 112 : index
        %swap3A_320 = tpu.vector_load %arg10[%swap3A_318, %swap3A_319] {strides = array<i32>} : memref<64x128xf32, #tpu.memory_space<vmem>>, vector<1x16xf32>,
        %swap3A_321 = vector.shape_cast %swap3A_320 : vector<1x16xf32> to vector<16xf32>
        %swap3A_322 = vector.shape_cast %add3A_317 : vector<16xf32> to vector<1x16xf32>
        tpu.vector_store %arg10[%swap3A_318, %swap3A_319], %swap3A_322 {strides = array<i32>} : memref<64x128xf32, #tpu.memory_space<vmem>>, vector<1x16xf32>,
      }
      %scan3A_235 = arith.constant 64 : i32
      %mul3A_236 = arith.constant 2048 : i32
      %mul3A_237 = arith.muli %add3A_192, %mul3A_236 : i32
      %add3A_238 = arith.addi %mul3A_237, %mul3A_2 : i32
      %dma_start3A_239 = arith.constant 0 : i32
      %dma_start3A_240 = tpu.memref_slice %arg4[%add3A_238, %dma_start3A_239] : memref<262144x128xf32, #tpu.memory_space<hbm>> -> memref<64x128xf32, #tpu.memory_space<hbm>>
      %dma_start3A_241 = arith.constant 0 : i32
      %dma_start3A_242 = tpu.memref_slice %arg4[%add3A_238, %dma_start3A_241] : memref<262144x128xf32, #tpu.memory_space<hbm>> -> memref<64x128xf32, #tpu.memory_space<hbm>>
      tpu.enqueue_dma source(%arg10 : memref<64x128xf32, #tpu.memory_space<vmem>>) target(%dma_start3A_242 : memref<64x128xf32, #tpu.memory_space<hbm>>) target_semaphore(%arg14 : memref<!tpu.dma_semaphore, #tpu.memory_space<semaphore_mem>>)
    }
    %scan3A_7 = arith.constant 32 : i32
    %add3A_8 = arith.constant 253952 : i32
    %add3A_9 = arith.addi %add3A_8, %mul3A_2 : i32
    %dma_wait3A = arith.constant 0 : i32
    %dma_wait3A_10 = tpu.memref_slice %arg4[%add3A_9, %dma_wait3A] : memref<262144x128xf32, #tpu.memory_space<hbm>> -> memref<64x128xf32, #tpu.memory_space<hbm>>
    %dma_wait3A_11 = arith.constant 0 : i32
    %dma_wait3A_12 = tpu.memref_slice %arg4[%add3A_9, %dma_wait3A_11] : memref<262144x128xf32, #tpu.memory_space<hbm>> -> memref<64x128xf32, #tpu.memory_space<hbm>>
    tpu.wait_dma2 semaphore(%arg11 : memref<!tpu.dma_semaphore, #tpu.memory_space<semaphore_mem>>) src(%arg7 : memref<64x128xf32, #tpu.memory_space<vmem>>) dst(%dma_wait3A_12 : memref<64x128xf32, #tpu.memory_space<hbm>>)
    %add3A_13 = arith.constant 256000 : i32
    %add3A_14 = arith.addi %add3A_13, %mul3A_2 : i32
    %dma_wait3A_15 = arith.constant 0 : i32
    %dma_wait3A_16 = tpu.memref_slice %arg4[%add3A_14, %dma_wait3A_15] : memref<262144x128xf32, #tpu.memory_space<hbm>> -> memref<64x128xf32, #tpu.memory_space<hbm>>
    %dma_wait3A_17 = arith.constant 0 : i32
    %dma_wait3A_18 = tpu.memref_slice %arg4[%add3A_14, %dma_wait3A_17] : memref<262144x128xf32, #tpu.memory_space<hbm>> -> memref<64x128xf32, #tpu.memory_space<hbm>>
    tpu.wait_dma2 semaphore(%arg12 : memref<!tpu.dma_semaphore, #tpu.memory_space<semaphore_mem>>) src(%arg8 : memref<64x128xf32, #tpu.memory_space<vmem>>) dst(%dma_wait3A_18 : memref<64x128xf32, #tpu.memory_space<hbm>>)
    %add3A_19 = arith.constant 258048 : i32
    %add3A_20 = arith.addi %add3A_19, %mul3A_2 : i32
    %dma_wait3A_21 = arith.constant 0 : i32
    %dma_wait3A_22 = tpu.memref_slice %arg4[%add3A_20, %dma_wait3A_21] : memref<262144x128xf32, #tpu.memory_space<hbm>> -> memref<64x128xf32, #tpu.memory_space<hbm>>
    %dma_wait3A_23 = arith.constant 0 : i32
    %dma_wait3A_24 = tpu.memref_slice %arg4[%add3A_20, %dma_wait3A_23] : memref<262144x128xf32, #tpu.memory_space<hbm>> -> memref<64x128xf32, #tpu.memory_space<hbm>>
    tpu.wait_dma2 semaphore(%arg13 : memref<!tpu.dma_semaphore, #tpu.memory_space<semaphore_mem>>) src(%arg9 : memref<64x128xf32, #tpu.memory_space<vmem>>) dst(%dma_wait3A_24 : memref<64x128xf32, #tpu.memory_space<hbm>>)
    %add3A_25 = arith.constant 260096 : i32
    %add3A_26 = arith.addi %add3A_25, %mul3A_2 : i32
    %dma_wait3A_27 = arith.constant 0 : i32
    %dma_wait3A_28 = tpu.memref_slice %arg4[%add3A_26, %dma_wait3A_27] : memref<262144x128xf32, #tpu.memory_space<hbm>> -> memref<64x128xf32, #tpu.memory_space<hbm>>
    %dma_wait3A_29 = arith.constant 0 : i32
    %dma_wait3A_30 = tpu.memref_slice %arg4[%add3A_26, %dma_wait3A_29] : memref<262144x128xf32, #tpu.memory_space<hbm>> -> memref<64x128xf32, #tpu.memory_space<hbm>>
    tpu.wait_dma2 semaphore(%arg14 : memref<!tpu.dma_semaphore, #tpu.memory_space<semaphore_mem>>) src(%arg10 : memref<64x128xf32, #tpu.memory_space<vmem>>) dst(%dma_wait3A_30 : memref<64x128xf32, #tpu.memory_space<hbm>>)
    return
  }
}

</mosaic_0001>

<sc_bundles>
// kernel: kernel.3.cloned.1.call-start
scs
__scs_entry_jumppad:
0x0: {  	(pc) =	sbr.rel $0x88, $3  }
0x1: {  	(tag) =	ssettag $0x0;
	lr =	simm.s32 $0x1  }
0x2: {  	[smem:$0x3F9F] =	sst lr;
	_ =	strace $0xD0000000  }
0x3: {  	_ = 	snop  }
0x4: {  	_ = 	snop  }
0x5: {  	_ = 	snop  }
0x6: {  	_ = 	snop  }
0x7: {  	_ = 	snop  }
__scs_overlays_trampoline_lowered:
0x8: {  	[smem:$0x3FAE] =	sst s0  }
0x9: {  	[smem:$0x3FAF] =	sst s1  }
0xa: {  	[smem:$0x3FB0] =	sst s2  }
0xb: {  	[smem:$0x3FB1] =	sst s3  }
0xc: {  	[smem:$0x3FB2] =	sst s4  }
0xd: {  	[smem:$0x3FB3] =	sst s5  }
0xe: {  	[smem:$0x3FB4] =	sst s6  }
0xf: {  	[smem:$0x3FB5] =	sst s7  }
0x10: {  	[smem:$0x3FB6] =	sst s8  }
0x11: {  	[smem:$0x3FB7] =	sst s9;
	s0 =	simm.s32 @!p0 $0x0  }
0x12: {  	s1 =	sld [smem:$0x3F9D];
	s0 =	simm.s32 @p0 $0x1  }
0x13: {  	[smem:$0x3FB8] =	sst s0;
	s0 =	simm.s32 @!p1 $0x0  }
0x14: {  	s2 =	sld [smem:$0x3F9C];
	s0 =	simm.s32 @p1 $0x1  }
0x15: {  	[smem:$0x3FB9] =	sst s0;
	s0 =	simm.s32 @!p2 $0x0  }
0x16: {  	s3 =	sld [smem:$0x3FDB];
	s0 =	simm.s32 @p2 $0x1  }
0x17: {  	s4 =	simm.s32 $0x1BF5;
	[smem:$0x3FBB] =	sst s0  }
0x18: {  	s0 =	sld [smem:$0x3F9E];
	_ =	swait.ge [sflag:s4], $0x0  }
0x19: {  	s7 =	sld [smem:$0x3F9F]  }
0x1a: {  	s8 =	sadd.s32 $0xFFFFE003, lr  }
0x1b: {  	s9 =	sadd.s32 $0xFFFFFEF7, lr;
	s5 =	simm.s32 $0xFFFFFFFF;
	p2 =	slt.u32 s8, $0xFFFFF086  }
0x1c: {  	p1 =	slt.u32 s9, $0xF7A;
	s5 =	simm.s32 @!p2 $0x0  }
0x1d: {  	s5 =	simm.s32 @p1 $0x1;
	p0 =	seq.s32 s7, s2  }
0x1e: {  	s7 =	smul.u32 @!p0 $0xF7A, s2;
	p2 =	seq.s32 @!p0 s5, $0x0  }
0x1f: {  	s9 =	smul.u32 $0xF7A, s1;
	s8 =	simm.s32 @!p0 $0x1BF5;
	p2 =	por !p2, p0  }
0x20: {  	[sflag:s8] =	ssyncset.s32 @!p0 $0xFFFFF086;
	s6 =	sadd.s32 @!p0 s3, s7;
	s7 =	simm.s32 @!p0 $0x108  }
0x21: {  	s3 =	sadd.s32 s3, s9;
	s6 =	sadd.s32 @!p0 $0x88, s6;
	s7 =	simm.s32 @p2 $0x1082  }
0x22: {  	[simem:s7], [sflag:s8] =	dma.local @!p0 [hbm:s6], $0xF7A  }
0x23: {  	s9 =	sor.u32 $0xD0000000, s2;
	s6 =	simm.s32 $0x108;
	_ =	swait.ge @!p0 [sflag:s8], $0x0  }
0x24: {  	s3 =	sadd.s32 $0x88, s3;
	s6 =	simm.s32 @!p1 $0x1082;
	[sflag:s4] =	ssyncset.s32 $0xFFFFF086  }
0x25: {  	[simem:s6], [sflag:s4] =	dma.local [hbm:s3], $0xF7A  }
0x26: {  	[smem:$0x3F9F] =	sst s1;
	(tag) =	ssettag s2;
	_ =	strace s9  }
0x27: {  	s1 =	sld [smem:$0x3FAF]  }
0x28: {  	s2 =	sld [smem:$0x3FB0]  }
0x29: {  	s4 =	sld [smem:$0x3FB2]  }
0x2a: {  	p0 =	seq.s32 s5, $0x0;
	s5 =	sld [smem:$0x3FB3]  }
0x2b: {  	s6 =	sld [smem:$0x3FB4]  }
0x2c: {  	s7 =	sld [smem:$0x3FB5]  }
0x2d: {  	s3 =	simm.s32 $0x108;
	s8 =	sld [smem:$0x3FB6]  }
0x2e: {  	s3 =	simm.s32 @!p0 $0x1082;
	s9 =	sld [smem:$0x3FB7]  }
0x2f: {  	lr =	sadd.s32 s0, s3;
	s0 =	sld [smem:$0x3FAE]  }
0x30: {  	s3 =	sld [smem:$0x3FB1]  }
0x31: {  	[smem:$0x3FBA] =	sst s10  }
0x32: {  	s10 =	sld [smem:$0x3FB8];
	_ =	sdelay $0x3  }
0x33: {  	p0 =	seq.s32 s10, $0x1;
	s10 =	sld [smem:$0x3FBA];
	_ =	sdelay $0x3  }
0x34: {  	[smem:$0x3FBA] =	sst s10  }
0x35: {  	s10 =	sld [smem:$0x3FB9];
	_ =	sdelay $0x3  }
0x36: {  	p1 =	seq.s32 s10, $0x1;
	s10 =	sld [smem:$0x3FBA];
	_ =	sdelay $0x3  }
0x37: {  	[smem:$0x3FBA] =	sst s10  }
0x38: {  	s10 =	sld [smem:$0x3FBB]  }
0x39: {  	_ = 	snop;
	(pc) =	sbr.ind lr, $3  }
0x3a: {  	_ = 	snop  }
0x3b: {  	_ = 	snop  }
0x3c: {  	p2 =	seq.s32 s10, $0x1;
	s10 =	sld [smem:$0x3FBA]  }
0x3d: {  	_ =	shalt  }
0x3e: {  	_ =	shalt  }
0x3f: {  	_ =	shalt  }
0x40: {  	_ =	shalt  }
0x41: {  	_ =	shalt  }
0x42: {  	_ =	shalt  }
0x43: {  	_ =	shalt  }
0x44: {  	_ =	shalt  }
0x45: {  	_ =	shalt  }
0x46: {  	_ =	shalt  }
0x47: {  	_ =	shalt  }
0x48: {  	_ =	shalt  }
0x49: {  	_ =	shalt  }
0x4a: {  	_ =	shalt  }
0x4b: {  	_ =	shalt  }
0x4c: {  	_ =	shalt  }
0x4d: {  	_ =	shalt  }
0x4e: {  	_ =	shalt  }
0x4f: {  	_ =	shalt  }
0x50: {  	_ =	shalt  }
0x51: {  	_ =	shalt  }
0x52: {  	_ =	shalt  }
0x53: {  	_ =	shalt  }
0x54: {  	_ =	shalt  }
0x55: {  	_ =	shalt  }
0x56: {  	_ =	shalt  }
0x57: {  	_ =	shalt  }
0x58: {  	_ =	shalt  }
0x59: {  	_ =	shalt  }
0x5a: {  	_ =	shalt  }
0x5b: {  	_ =	shalt  }
0x5c: {  	_ =	shalt  }
0x5d: {  	_ =	shalt  }
0x5e: {  	_ =	shalt  }
0x5f: {  	_ =	shalt  }
0x60: {  	_ =	shalt  }
0x61: {  	_ =	shalt  }
0x62: {  	_ =	shalt  }
0x63: {  	_ =	shalt  }
0x64: {  	_ =	shalt  }
0x65: {  	_ =	shalt  }
0x66: {  	_ =	shalt  }
0x67: {  	_ =	shalt  }
0x68: {  	_ =	shalt  }
0x69: {  	_ =	shalt  }
0x6a: {  	_ =	shalt  }
0x6b: {  	_ =	shalt  }
0x6c: {  	_ =	shalt  }
0x6d: {  	_ =	shalt  }
0x6e: {  	_ =	shalt  }
0x6f: {  	_ =	shalt  }
0x70: {  	_ =	shalt  }
0x71: {  	_ =	shalt  }
0x72: {  	_ =	shalt  }
0x73: {  	_ =	shalt  }
0x74: {  	_ =	shalt  }
0x75: {  	_ =	shalt  }
0x76: {  	_ =	shalt  }
0x77: {  	_ =	shalt  }
0x78: {  	_ =	shalt  }
0x79: {  	_ =	shalt  }
0x7a: {  	_ =	shalt  }
0x7b: {  	_ =	shalt  }
0x7c: {  	_ =	shalt  }
0x7d: {  	_ =	shalt  }
0x7e: {  	_ =	shalt  }
0x7f: {  	_ =	shalt  }
0x80: {  	_ =	shalt  }
0x81: {  	_ =	shalt  }
0x82: {  	_ =	shalt  }
0x83: {  	_ =	shalt  }
0x84: {  	_ =	shalt  }
0x85: {  	_ =	shalt  }
0x86: {  	_ =	shalt  }
0x87: {  	_ =	shalt  }
.Lfunc_end0:
.L_simem_size_0:
called_computation_lowered:
.L_overlay_start_0:
0x88: {  	s2 =	sld [smem:$0x3FD9]  }
0x89: {  	s3 =	sld [smem:$0x3FFE];
	_ =	sdelay $0x1  }
0x8a: {  	s1 =	srdreg.scid  }
0x8b: {  	s0 =	sand.u32 $0x1, s1  }
0x8c: {  	s18 =	sshll.u32 s0, $0xA;
	s2 =	sadd.s32 s3, s2  }
0x8d: {  	s2 =	sadd.s32 s2, s18  }
0x8e: {  	[smem:$0x3FC6] =	sst s2  }
0x8f: {  	_ = 	snop  }
0x90: {  	s2 =	sld [smem:$0x3FC9]  }
0x91: {  	s19 =	sld [smem:$0x3FC8]  }
0x92: {  	s4 =	sld [smem:$0x3FD0];
	(tm) =	ssettm $0x1  }
0x93: {  	s5 =	sld [smem:$0x3FFB];
	_ =	sdelay $0x3  }
0x94: {  	_ =	strace s5  }
0x95: {  	s5 =	sld [smem:$0x3FFC];
	_ =	sdelay $0x3  }
0x96: {  	_ =	strace s5  }
0x97: {  	s5 =	sld [smem:$0x3FFD];
	_ =	sdelay $0x3  }
0x98: {  	_ =	strace s5  }
0x99: {  	_ =	strace $0x8FFFFFFF  }
0x9a: {  	s20 =	sld [smem:$0x3FDB];
	_ =	sdelay $0x1  }
0x9b: {  	s6 =	simm.s32 $_scs_section_size  }
0x9c: {  	s7 =	simm.s32 $_size__tile_overlayer_lowered;
	s8 =	simm.s32 $_tile_overlayer_lowered  }
0x9d: {  	s23 =	simm.s32 $0x1BFF;
	s22 =	sshll.u32 s8, $0x1;
	s5 =	sadd.s32 s6, s20  }
0x9e: {  	s9 =	simm.s32 $0x0;
	s21 =	sshll.u32 s7, $0x1;
	s7 =	sadd.s32 s22, s5  }
0x9f: {  	[timem:s9], [sflag:s23] =	dma.local [hbm:s7], s21  }
0xa0: {  	_ =	swait.ge [sflag:s23], s21  }
0xa1: {  	s6 =	ssub.s32 $0x0, s21;
	[sflag:s23] =	ssyncset.done $0x0  }
0xa2: {  	[sflag:s23] =	ssyncadd.s32 s6;
	_ =	sdelay $0x1  }
0xa3: {  	s24 =	simm.s32 $0x1B8B  }
0xa4: {  	_ =	swait.ge [sflag:s24], $0x1  }
0xa5: {  	[sflag:s24] =	ssyncset.done $0x0  }
0xa6: {  	s25 =	simm.s32 $0x1B8E;
	[sflag:s24] =	ssyncadd.s32 $0xFFFFFFFF  }
0xa7: {  	s26 =	simm.s32 $execute0_lowered;
	[smem:$0x3FD2] =	sst s25  }
0xa8: {  	s6 =	sshll.u32 s26, $0x1;
	_ =	strace $0x80000046;
	[dreg:$0x1] =	wrdreg $0xFFFFFFFF  }
0xa9: {  	s28 =	simm.s32 $_size_execute0_lowered;
	s5 =	sadd.s32 s5, s6;
	[dreg:$0x0] =	wrdreg $0x0  }
0xaa: {  	s6 =	sshll.u32 s28, $0x1;
	[dreg:$0x2] =	wrdreg s5  }
0xab: {  	[dreg:$0x3] =	wrdreg s6  }
0xac: {  	[dreg:$0x4] =	wrdreg $0xC0  }
0xad: {  	_ =	task [dreg:s9], $0x5FFFF  }
0xae: {  	[dreg:$0x1] =	wrdreg $0xFFFFFFFF  }
0xaf: {  	[dreg:$0x0] =	wrdreg $0x60  }
0xb0: {  	[dreg:$0x2] =	wrdreg s2  }
0xb1: {  	[dreg:$0x3] =	wrdreg s19  }
0xb2: {  	[dreg:$0x4] =	wrdreg s4  }
0xb3: {  	[dreg:$0x5] =	wrdreg $0x9  }
0xb4: {  	_ =	task.clear_ibuf [dreg:s9], $0x6FFFF;
	_ =	strace $0x90000046  }
0xb5: {  	s29 =	simm.s32 $0x9;
	_ =	strace $0x80000048  }
0xb6: {  	_ =	swait.ge [sflag:s29], $0x1  }
0xb7: {  	[sflag:s29] =	ssyncadd.s32 $0xFFFFFFFF  }
0xb8: {  	_ =	strace $0x90000048  }
0xb9: {  	_ =	sfence  }
0xba: {  	s30 =	sld [smem:$0x0];
	_ =	sdelay $0x2  }
0xbb: {  	s31 =	sshll.u32 s1, $0xD;
	s1 =	sshrl.u32 s1, $0x2  }
0xbc: {  	s3 =	sand.u32 $0x4000, s31;
	s1 =	sadd.s32 s1, s30  }
0xbd: {  	s0 =	sor.u32 s3, s0;
	s1 =	sshll.u32 s1, $0x11  }
0xbe: {  	s0 =	sor.u32 s1, s0  }
0xbf: {  	s0 =	sadd.s32 $0x8F2B, s0  }
0xc0: {  	[sflag:s0] =	ssyncadd.remote.s32 $0x1  }
0xc1: {  	_ =	sfence.sel $0xFFFF  }
0xc2: {  	[dreg:$0x0] =	wrdreg $0xFFFFFFFF;
	(pc) =	sbr.abs _section_cstart, $3  }
0xc3: {  	[dreg:$0x1] =	wrdreg $0xFFFFFFFF  }
0xc4: {  	_ =	task.clear_ibuf [dreg:s9], $0x2FFFF;
	_ =	strace $0x9FFFFFFF  }
0xc5: {  	(tm) =	ssettm $0x7FFFFFFF  }
tec
execute0_lowered:
.L_overlay_start_1:
0x0: {  	(tag) =	ssettag $0x1  }
0x1: {  	s4 =	rddreg [dreg:$0x0]  }
0x2: {  	s1 =	rddreg [dreg:$0x1]  }
0x3: {  	s5 =	rddreg [dreg:$0x2]  }
0x4: {  	s0 =	rddreg [dreg:$0x3];
	s3 =	simm.s32 $0x0;
	s6 =	srdreg.scid  }
0x5: {  	s2 =	stileid.u32;
	s10 =	simm.s32 $0x8000;
	s11 =	simm.s32 $0xA000  }
0x6: {  	s12 =	simm.s32 $0xC000;
	s13 =	simm.s32 $0x1;
	s14 =	simm.s32 $0x2  }
0x7: {  	s15 =	simm.s32 $0x3;
	s16 =	simm.s32 $0x4;
	s17 =	simm.s32 $0x0  }
0x8: {  	[smem:$0x7FF] =	sst s3;
	s6 =	sand.u32 $0x1, s6;
	s8 =	sshll.u32 s2, $0xB  }
0x9: {  	s7 =	ssub.s32 $0x2, s6;
	s6 =	sshll.u32 s6, $0xA;
	_ =	strace $0x80000047  }
0xa: {  	s9 =	sshrl.u32 s7, $0x1;
	s6 =	sor.u32 s6, s8;
	s8 =	simm.s32 $0x2000  }
0xb: {  	s7 =	ssub.s32 s7, s9;
	s4 =	sadd.s32 s4, s6;
	s5 =	sadd.s32 s5, s6  }
0xc: {  	s9 =	simm.s32 $0x6000;
	s6 =	smax.u32 s7, $0x1;
	s7 =	simm.s32 $0x5  }
.LBB2_1:
0xd: {  	[tilespmem:s3], [sflag:$0x5] =	stream.linear.gather [hbm4b:s4+s3], $0x2000, $0x38;
	[tilespmem:$0xE000] =	vst v63  }
0xe: {  	_ =	swait.ge [sflag:s7], $0x2000  }
0xf: {  	[sflag:s7] =	ssyncset.done $0x0  }
0x10: {  	[sflag:s7] =	ssyncadd.s32 $0xFFFFE000  }
0x11: {  	[tilespmem:s8], [sflag:$0x5] =	stream.linear.gather [hbm4b:s1+s3], $0x4000, $0x38;
	[tilespmem:$0xE000] =	vst v63  }
0x12: {  	_ =	swait.ge [sflag:s7], $0x4000  }
0x13: {  	[sflag:s7] =	ssyncset.done $0x0  }
0x14: {  	s18 =	simm.s32 $0x0;
	[sflag:s7] =	ssyncadd.s32 $0xFFFFC000  }
.LBB2_2:
0x15: {  	p0 =	seq.s32 s18, $0x0  }
0x16: {  	s19 =	simm.s32 @!p0 $0x1  }
0x17: {  	_ =	swait.ge @!p0 [sflag:s19], $0x2000  }
0x18: {  	s20 =	sshll.u32 s18, $0x9;
	[sflag:s19] =	ssyncset.done @!p0 $0x0  }
0x19: {  	s31 =	sand.u32 $0x3FFFFE00, s20;
	[sflag:s19] =	ssyncadd.s32 @!p0 $0xFFFFE000  }
0x1a: {  	v6 =	vld [tilespmem:s31+$0x2000]  }
0x1b: {  	v5 =	vld [tilespmem:s31+$0x2010]  }
0x1c: {  	v4 =	vld [tilespmem:s31+$0x2020]  }
0x1d: {  	v3 =	vld [tilespmem:s31+$0x2030]  }
0x1e: {  	v2 =	vld [tilespmem:s31+$0x2040]  }
0x1f: {  	v1 =	vld [tilespmem:s31+$0x2050]  }
0x20: {  	v0 =	vld [tilespmem:s31+$0x2060]  }
0x21: {  	s21 =	simm.s32 $0x0;
	v7 =	vld [tilespmem:s31+$0x2070]  }
0x22: {  	v9 =	vld [tilespmem:s21+$0x70]  }
0x23: {  	v13 =	vld [tilespmem:s21+$0x0]  }
0x24: {  	v14 =	vld [tilespmem:s21+$0x10]  }
0x25: {  	v12 =	vld [tilespmem:s21+$0x20]  }
0x26: {  	v11 =	vld [tilespmem:s21+$0x30]  }
0x27: {  	v8 =	vld [tilespmem:s21+$0x40];
	v15 =	vadd.f32 v9, v7  }
0x28: {  	v9 =	vld [tilespmem:s21+$0x50];
	v13 =	vadd.f32 v13, v6  }
0x29: {  	s22 =	simm.s32 $0x400;
	s20 =	simm.s32 $0x80;
	s19 =	sshll.u32 s18, $0x2;
	v10 =	vld [tilespmem:s21+$0x60];
	v14 =	vadd.f32 v14, v5;
	[tilespmem:s21+$0x6070] =	vst v15  }
.LBB2_3:
0x2a: {  	p1 =	sne.s32 s22, $0x7E00;
	v15 =	vld [tilespmem:s20+$0x70];
	[tilespmem:s21+$0x6000] =	vst v13;
	v12 =	vadd.f32 v12, v4  }
0x2b: {  	v13 =	vld [tilespmem:s20+$0x0];
	[tilespmem:s21+$0x6010] =	vst v14;
	v11 =	vadd.f32 v11, v3  }
0x2c: {  	v14 =	vld [tilespmem:s20+$0x10];
	[tilespmem:s21+$0x6020] =	vst v12;
	v8 =	vadd.f32 v8, v2  }
.Ltmp0:
0x2d: {  	v12 =	vld [tilespmem:s20+$0x20];
	[tilespmem:s21+$0x6030] =	vst v11;
	v9 =	vadd.f32 v9, v1;
	(pc) =	sbr.rel @p1 .LBB2_3-.Ltmp0, $4  }
0x2e: {  	v11 =	vld [tilespmem:s20+$0x30];
	[tilespmem:s21+$0x6040] =	vst v8;
	v10 =	vadd.f32 v10, v0  }
0x2f: {  	v8 =	vld [tilespmem:s20+$0x40];
	v15 =	vadd.f32 v15, v7;
	[tilespmem:s21+$0x6050] =	vst v9  }
0x30: {  	v13 =	vadd.f32 v13, v6;
	v9 =	vld [tilespmem:s20+$0x50];
	[tilespmem:s21+$0x6060] =	vst v10;
	s21 =	smov.u32 s20  }
0x31: {  	s20 =	sshra.s32 s22, $0x2;
	s22 =	sadd.s32 $0x200, s22;
	v14 =	vadd.f32 v14, v5;
	v10 =	vld [tilespmem:s21+$0x60];
	[tilespmem:s21+$0x6070] =	vst v15  }
0x32: {  	v15 =	vld [tilespmem:s20+$0x70];
	[tilespmem:s21+$0x6000] =	vst v13;
	v12 =	vadd.f32 v12, v4  }
0x33: {  	v13 =	vld [tilespmem:s20+$0x0];
	[tilespmem:s21+$0x6010] =	vst v14;
	v11 =	vadd.f32 v11, v3  }
0x34: {  	v14 =	vld [tilespmem:s20+$0x10];
	[tilespmem:s21+$0x6020] =	vst v12;
	v8 =	vadd.f32 v8, v2  }
0x35: {  	v12 =	vld [tilespmem:s20+$0x20];
	[tilespmem:s21+$0x6030] =	vst v11;
	v9 =	vadd.f32 v9, v1  }
0x36: {  	v11 =	vld [tilespmem:s20+$0x30];
	[tilespmem:s21+$0x6040] =	vst v8;
	v10 =	vadd.f32 v10, v0  }
0x37: {  	v8 =	vld [tilespmem:s20+$0x40];
	[tilespmem:s21+$0x6050] =	vst v9;
	v7 =	vadd.f32 v15, v7  }
0x38: {  	v9 =	vld [tilespmem:s20+$0x50];
	[tilespmem:s21+$0x6060] =	vst v10;
	v6 =	vadd.f32 v13, v6  }
0x39: {  	v10 =	vld [tilespmem:s20+$0x60];
	v5 =	vadd.f32 v14, v5;
	[tilespmem:s20+$0x6070] =	vst v7  }
0x3a: {  	[tilespmem:s20+$0x6000] =	vst v6;
	v4 =	vadd.f32 v12, v4  }
0x3b: {  	[tilespmem:s20+$0x6010] =	vst v5;
	v3 =	vadd.f32 v11, v3  }
0x3c: {  	[tilespmem:s20+$0x6020] =	vst v4;
	v2 =	vadd.f32 v8, v2  }
0x3d: {  	[tilespmem:s20+$0x6030] =	vst v3;
	v1 =	vadd.f32 v9, v1  }
0x3e: {  	[tilespmem:s20+$0x6040] =	vst v2;
	v0 =	vadd.f32 v10, v0  }
0x3f: {  	s29 =	sshll.u32 s18, $0x11;
	[tilespmem:s20+$0x6050] =	vst v1  }
0x40: {  	s30 =	sadd.s32 s29, s5;
	s21 =	simm.s32 @!p0 $0x2;
	[tilespmem:s20+$0x6060] =	vst v0  }
0x41: {  	[hbm4b:s30+s3] =	stream.linear.scatter [tilespmem:s9], [sflag:$0x1], $0x2000, $0x38;
	[tilespmem:$0xE000] =	vst v63  }
0x42: {  	s20 =	sor.u32 $0x1, s19;
	_ =	swait.ge @!p0 [sflag:s21], $0x2000  }
0x43: {  	s22 =	sshll.u32 s20, $0x7;
	[sflag:s21] =	ssyncset.done @!p0 $0x0  }
0x44: {  	s31 =	sand.u32 $0x3FFFFF80, s22;
	[sflag:s21] =	ssyncadd.s32 @!p0 $0xFFFFE000  }
0x45: {  	v6 =	vld [tilespmem:s31+$0x2000]  }
0x46: {  	v5 =	vld [tilespmem:s31+$0x2010]  }
0x47: {  	v4 =	vld [tilespmem:s31+$0x2020]  }
0x48: {  	v3 =	vld [tilespmem:s31+$0x2030]  }
0x49: {  	v2 =	vld [tilespmem:s31+$0x2040]  }
0x4a: {  	v1 =	vld [tilespmem:s31+$0x2050]  }
0x4b: {  	v0 =	vld [tilespmem:s31+$0x2060]  }
0x4c: {  	s22 =	simm.s32 $0x0;
	v7 =	vld [tilespmem:s31+$0x2070]  }
0x4d: {  	v9 =	vld [tilespmem:s22+$0x70]  }
0x4e: {  	v13 =	vld [tilespmem:s22+$0x0]  }
0x4f: {  	v14 =	vld [tilespmem:s22+$0x10]  }
0x50: {  	v12 =	vld [tilespmem:s22+$0x20]  }
0x51: {  	v11 =	vld [tilespmem:s22+$0x30]  }
0x52: {  	v8 =	vld [tilespmem:s22+$0x40];
	v15 =	vadd.f32 v9, v7  }
0x53: {  	v9 =	vld [tilespmem:s22+$0x50];
	v13 =	vadd.f32 v13, v6  }
0x54: {  	s23 =	simm.s32 $0x400;
	s21 =	simm.s32 $0x80;
	v10 =	vld [tilespmem:s22+$0x60];
	v14 =	vadd.f32 v14, v5;
	[tilespmem:s22+$0x8070] =	vst v15  }
.LBB2_5:
0x55: {  	p1 =	sne.s32 s23, $0x7E00;
	v15 =	vld [tilespmem:s21+$0x70];
	[tilespmem:s22+$0x8000] =	vst v13;
	v12 =	vadd.f32 v12, v4  }
0x56: {  	v13 =	vld [tilespmem:s21+$0x0];
	[tilespmem:s22+$0x8010] =	vst v14;
	v11 =	vadd.f32 v11, v3  }
0x57: {  	v14 =	vld [tilespmem:s21+$0x10];
	[tilespmem:s22+$0x8020] =	vst v12;
	v8 =	vadd.f32 v8, v2  }
.Ltmp1:
0x58: {  	v12 =	vld [tilespmem:s21+$0x20];
	[tilespmem:s22+$0x8030] =	vst v11;
	v9 =	vadd.f32 v9, v1;
	(pc) =	sbr.rel @p1 .LBB2_5-.Ltmp1, $4  }
0x59: {  	v11 =	vld [tilespmem:s21+$0x30];
	[tilespmem:s22+$0x8040] =	vst v8;
	v10 =	vadd.f32 v10, v0  }
0x5a: {  	v8 =	vld [tilespmem:s21+$0x40];
	v15 =	vadd.f32 v15, v7;
	[tilespmem:s22+$0x8050] =	vst v9  }
0x5b: {  	v13 =	vadd.f32 v13, v6;
	v9 =	vld [tilespmem:s21+$0x50];
	[tilespmem:s22+$0x8060] =	vst v10;
	s22 =	smov.u32 s21  }
0x5c: {  	s21 =	sshra.s32 s23, $0x2;
	s23 =	sadd.s32 $0x200, s23;
	v14 =	vadd.f32 v14, v5;
	v10 =	vld [tilespmem:s22+$0x60];
	[tilespmem:s22+$0x8070] =	vst v15  }
0x5d: {  	v15 =	vld [tilespmem:s21+$0x70];
	[tilespmem:s22+$0x8000] =	vst v13;
	v12 =	vadd.f32 v12, v4  }
0x5e: {  	v13 =	vld [tilespmem:s21+$0x0];
	[tilespmem:s22+$0x8010] =	vst v14;
	v11 =	vadd.f32 v11, v3  }
0x5f: {  	v14 =	vld [tilespmem:s21+$0x10];
	[tilespmem:s22+$0x8020] =	vst v12;
	v8 =	vadd.f32 v8, v2  }
0x60: {  	v12 =	vld [tilespmem:s21+$0x20];
	[tilespmem:s22+$0x8030] =	vst v11;
	v9 =	vadd.f32 v9, v1  }
0x61: {  	v11 =	vld [tilespmem:s21+$0x30];
	[tilespmem:s22+$0x8040] =	vst v8;
	v10 =	vadd.f32 v10, v0  }
0x62: {  	v8 =	vld [tilespmem:s21+$0x40];
	[tilespmem:s22+$0x8050] =	vst v9;
	v7 =	vadd.f32 v15, v7  }
0x63: {  	v9 =	vld [tilespmem:s21+$0x50];
	[tilespmem:s22+$0x8060] =	vst v10;
	v6 =	vadd.f32 v13, v6  }
0x64: {  	v10 =	vld [tilespmem:s21+$0x60];
	v5 =	vadd.f32 v14, v5;
	[tilespmem:s21+$0x8070] =	vst v7  }
0x65: {  	[tilespmem:s21+$0x8000] =	vst v6;
	v4 =	vadd.f32 v12, v4  }
0x66: {  	[tilespmem:s21+$0x8010] =	vst v5;
	v3 =	vadd.f32 v11, v3  }
0x67: {  	[tilespmem:s21+$0x8020] =	vst v4;
	v2 =	vadd.f32 v8, v2  }
0x68: {  	[tilespmem:s21+$0x8030] =	vst v3;
	v1 =	vadd.f32 v9, v1  }
0x69: {  	[tilespmem:s21+$0x8040] =	vst v2;
	v0 =	vadd.f32 v10, v0  }
0x6a: {  	s20 =	sshll.u32 s20, $0xF;
	[tilespmem:s21+$0x8050] =	vst v1  }
0x6b: {  	s20 =	sadd.s32 s20, s5;
	[tilespmem:s21+$0x8060] =	vst v0;
	s21 =	simm.s32 @!p0 $0x3  }
0x6c: {  	[hbm4b:s20+s3] =	stream.linear.scatter [tilespmem:s10], [sflag:$0x2], $0x2000, $0x38;
	[tilespmem:$0xE000] =	vst v63  }
0x6d: {  	s20 =	sor.u32 $0x2, s19;
	_ =	swait.ge @!p0 [sflag:s21], $0x2000  }
0x6e: {  	s30 =	sshll.u32 s20, $0x7;
	[sflag:s21] =	ssyncset.done @!p0 $0x0  }
0x6f: {  	s31 =	sand.u32 $0x3FFFFF80, s30;
	[sflag:s21] =	ssyncadd.s32 @!p0 $0xFFFFE000  }
0x70: {  	v6 =	vld [tilespmem:s31+$0x2000]  }
0x71: {  	v5 =	vld [tilespmem:s31+$0x2010]  }
0x72: {  	v4 =	vld [tilespmem:s31+$0x2020]  }
0x73: {  	v3 =	vld [tilespmem:s31+$0x2030]  }
0x74: {  	v2 =	vld [tilespmem:s31+$0x2040]  }
0x75: {  	v1 =	vld [tilespmem:s31+$0x2050]  }
0x76: {  	v0 =	vld [tilespmem:s31+$0x2060]  }
0x77: {  	s22 =	simm.s32 $0x0;
	v7 =	vld [tilespmem:s31+$0x2070]  }
0x78: {  	v9 =	vld [tilespmem:s22+$0x70]  }
0x79: {  	v13 =	vld [tilespmem:s22+$0x0]  }
0x7a: {  	v14 =	vld [tilespmem:s22+$0x10]  }
0x7b: {  	v12 =	vld [tilespmem:s22+$0x20]  }
0x7c: {  	v11 =	vld [tilespmem:s22+$0x30]  }
0x7d: {  	v8 =	vld [tilespmem:s22+$0x40];
	v15 =	vadd.f32 v9, v7  }
0x7e: {  	v9 =	vld [tilespmem:s22+$0x50];
	v13 =	vadd.f32 v13, v6  }
0x7f: {  	s23 =	simm.s32 $0x400;
	s21 =	simm.s32 $0x80;
	v10 =	vld [tilespmem:s22+$0x60];
	v14 =	vadd.f32 v14, v5;
	[tilespmem:s22+$0xA070] =	vst v15  }
.LBB2_7:
0x80: {  	p1 =	sne.s32 s23, $0x7E00;
	v15 =	vld [tilespmem:s21+$0x70];
	[tilespmem:s22+$0xA000] =	vst v13;
	v12 =	vadd.f32 v12, v4  }
0x81: {  	v13 =	vld [tilespmem:s21+$0x0];
	[tilespmem:s22+$0xA010] =	vst v14;
	v11 =	vadd.f32 v11, v3  }
0x82: {  	v14 =	vld [tilespmem:s21+$0x10];
	[tilespmem:s22+$0xA020] =	vst v12;
	v8 =	vadd.f32 v8, v2  }
.Ltmp2:
0x83: {  	v12 =	vld [tilespmem:s21+$0x20];
	[tilespmem:s22+$0xA030] =	vst v11;
	v9 =	vadd.f32 v9, v1;
	(pc) =	sbr.rel @p1 .LBB2_7-.Ltmp2, $4  }
0x84: {  	v11 =	vld [tilespmem:s21+$0x30];
	[tilespmem:s22+$0xA040] =	vst v8;
	v10 =	vadd.f32 v10, v0  }
0x85: {  	v8 =	vld [tilespmem:s21+$0x40];
	v15 =	vadd.f32 v15, v7;
	[tilespmem:s22+$0xA050] =	vst v9  }
0x86: {  	v13 =	vadd.f32 v13, v6;
	v9 =	vld [tilespmem:s21+$0x50];
	[tilespmem:s22+$0xA060] =	vst v10;
	s22 =	smov.u32 s21  }
0x87: {  	s21 =	sshra.s32 s23, $0x2;
	s23 =	sadd.s32 $0x200, s23;
	v14 =	vadd.f32 v14, v5;
	v10 =	vld [tilespmem:s22+$0x60];
	[tilespmem:s22+$0xA070] =	vst v15  }
0x88: {  	v15 =	vld [tilespmem:s21+$0x70];
	[tilespmem:s22+$0xA000] =	vst v13;
	v12 =	vadd.f32 v12, v4  }
0x89: {  	v13 =	vld [tilespmem:s21+$0x0];
	[tilespmem:s22+$0xA010] =	vst v14;
	v11 =	vadd.f32 v11, v3  }
0x8a: {  	v14 =	vld [tilespmem:s21+$0x10];
	[tilespmem:s22+$0xA020] =	vst v12;
	v8 =	vadd.f32 v8, v2  }
0x8b: {  	v12 =	vld [tilespmem:s21+$0x20];
	[tilespmem:s22+$0xA030] =	vst v11;
	v9 =	vadd.f32 v9, v1  }
0x8c: {  	v11 =	vld [tilespmem:s21+$0x30];
	[tilespmem:s22+$0xA040] =	vst v8;
	v10 =	vadd.f32 v10, v0  }
0x8d: {  	v8 =	vld [tilespmem:s21+$0x40];
	[tilespmem:s22+$0xA050] =	vst v9;
	v7 =	vadd.f32 v15, v7  }
0x8e: {  	v9 =	vld [tilespmem:s21+$0x50];
	[tilespmem:s22+$0xA060] =	vst v10;
	v6 =	vadd.f32 v13, v6  }
0x8f: {  	v10 =	vld [tilespmem:s21+$0x60];
	v5 =	vadd.f32 v14, v5;
	[tilespmem:s21+$0xA070] =	vst v7  }
0x90: {  	[tilespmem:s21+$0xA000] =	vst v6;
	v4 =	vadd.f32 v12, v4  }
0x91: {  	[tilespmem:s21+$0xA010] =	vst v5;
	v3 =	vadd.f32 v11, v3  }
0x92: {  	[tilespmem:s21+$0xA020] =	vst v4;
	v2 =	vadd.f32 v8, v2  }
0x93: {  	[tilespmem:s21+$0xA030] =	vst v3;
	v1 =	vadd.f32 v9, v1  }
0x94: {  	[tilespmem:s21+$0xA040] =	vst v2;
	v0 =	vadd.f32 v10, v0  }
0x95: {  	s20 =	sshll.u32 s20, $0xF;
	[tilespmem:s21+$0xA050] =	vst v1  }
0x96: {  	s20 =	sadd.s32 s20, s5;
	[tilespmem:s21+$0xA060] =	vst v0  }
0x97: {  	[hbm4b:s20+s3] =	stream.linear.scatter [tilespmem:s11], [sflag:$0x3], $0x2000, $0x38;
	[tilespmem:$0xE000] =	vst v63  }
0x98: {  	s20 =	simm.s32 @!p0 $0x4  }
0x99: {  	s19 =	sor.u32 $0x3, s19;
	_ =	swait.ge @!p0 [sflag:s20], $0x2000  }
0x9a: {  	s30 =	sshll.u32 s19, $0x7;
	[sflag:s20] =	ssyncset.done @!p0 $0x0  }
0x9b: {  	s31 =	sand.u32 $0x3FFFFF80, s30;
	[sflag:s20] =	ssyncadd.s32 @!p0 $0xFFFFE000  }
0x9c: {  	v6 =	vld [tilespmem:s31+$0x2000]  }
0x9d: {  	v5 =	vld [tilespmem:s31+$0x2010]  }
0x9e: {  	v4 =	vld [tilespmem:s31+$0x2020]  }
0x9f: {  	v3 =	vld [tilespmem:s31+$0x2030]  }
0xa0: {  	v2 =	vld [tilespmem:s31+$0x2040]  }
0xa1: {  	v1 =	vld [tilespmem:s31+$0x2050]  }
0xa2: {  	v0 =	vld [tilespmem:s31+$0x2060]  }
0xa3: {  	s21 =	simm.s32 $0x0;
	v7 =	vld [tilespmem:s31+$0x2070]  }
0xa4: {  	v9 =	vld [tilespmem:s21+$0x70]  }
0xa5: {  	v13 =	vld [tilespmem:s21+$0x0]  }
0xa6: {  	v14 =	vld [tilespmem:s21+$0x10]  }
0xa7: {  	v12 =	vld [tilespmem:s21+$0x20]  }
0xa8: {  	v11 =	vld [tilespmem:s21+$0x30]  }
0xa9: {  	v8 =	vld [tilespmem:s21+$0x40];
	v15 =	vadd.f32 v9, v7  }
0xaa: {  	v9 =	vld [tilespmem:s21+$0x50];
	v13 =	vadd.f32 v13, v6  }
0xab: {  	s22 =	simm.s32 $0x400;
	s20 =	simm.s32 $0x80;
	v10 =	vld [tilespmem:s21+$0x60];
	v14 =	vadd.f32 v14, v5;
	[tilespmem:s21+$0xC070] =	vst v15  }
.LBB2_9:
0xac: {  	p0 =	sne.s32 s22, $0x7E00;
	v15 =	vld [tilespmem:s20+$0x70];
	[tilespmem:s21+$0xC000] =	vst v13;
	v12 =	vadd.f32 v12, v4  }
0xad: {  	v13 =	vld [tilespmem:s20+$0x0];
	[tilespmem:s21+$0xC010] =	vst v14;
	v11 =	vadd.f32 v11, v3  }
0xae: {  	v14 =	vld [tilespmem:s20+$0x10];
	[tilespmem:s21+$0xC020] =	vst v12;
	v8 =	vadd.f32 v8, v2  }
.Ltmp3:
0xaf: {  	v12 =	vld [tilespmem:s20+$0x20];
	[tilespmem:s21+$0xC030] =	vst v11;
	v9 =	vadd.f32 v9, v1;
	(pc) =	sbr.rel @p0 .LBB2_9-.Ltmp3, $4  }
0xb0: {  	v11 =	vld [tilespmem:s20+$0x30];
	[tilespmem:s21+$0xC040] =	vst v8;
	v10 =	vadd.f32 v10, v0  }
0xb1: {  	v8 =	vld [tilespmem:s20+$0x40];
	v15 =	vadd.f32 v15, v7;
	[tilespmem:s21+$0xC050] =	vst v9  }
0xb2: {  	v13 =	vadd.f32 v13, v6;
	v9 =	vld [tilespmem:s20+$0x50];
	[tilespmem:s21+$0xC060] =	vst v10;
	s21 =	smov.u32 s20  }
0xb3: {  	s20 =	sshra.s32 s22, $0x2;
	s22 =	sadd.s32 $0x200, s22;
	v14 =	vadd.f32 v14, v5;
	v10 =	vld [tilespmem:s21+$0x60];
	[tilespmem:s21+$0xC070] =	vst v15  }
0xb4: {  	v15 =	vld [tilespmem:s20+$0x70];
	[tilespmem:s21+$0xC000] =	vst v13;
	v12 =	vadd.f32 v12, v4  }
0xb5: {  	v13 =	vld [tilespmem:s20+$0x0];
	[tilespmem:s21+$0xC010] =	vst v14;
	v11 =	vadd.f32 v11, v3  }
0xb6: {  	v14 =	vld [tilespmem:s20+$0x10];
	[tilespmem:s21+$0xC020] =	vst v12;
	v8 =	vadd.f32 v8, v2  }
0xb7: {  	v12 =	vld [tilespmem:s20+$0x20];
	[tilespmem:s21+$0xC030] =	vst v11;
	v9 =	vadd.f32 v9, v1  }
0xb8: {  	v11 =	vld [tilespmem:s20+$0x30];
	[tilespmem:s21+$0xC040] =	vst v8;
	v10 =	vadd.f32 v10, v0  }
0xb9: {  	v8 =	vld [tilespmem:s20+$0x40];
	[tilespmem:s21+$0xC050] =	vst v9;
	v7 =	vadd.f32 v15, v7  }
0xba: {  	v9 =	vld [tilespmem:s20+$0x50];
	[tilespmem:s21+$0xC060] =	vst v10;
	v6 =	vadd.f32 v13, v6  }
0xbb: {  	v10 =	vld [tilespmem:s20+$0x60];
	v5 =	vadd.f32 v14, v5;
	[tilespmem:s20+$0xC070] =	vst v7  }
0xbc: {  	[tilespmem:s20+$0xC000] =	vst v6;
	v59 =	vadd.f32 v12, v4  }
0xbd: {  	s18 =	sadd.s32 $0x1, s18;
	[tilespmem:s20+$0xC010] =	vst v5;
	v60 =	vadd.f32 v11, v3  }
0xbe: {  	p0 =	sne.s32 s18, $0x20;
	[tilespmem:s20+$0xC020] =	vst v59;
	v61 =	vadd.f32 v8, v2  }
.Ltmp4:
0xbf: {  	[tilespmem:s20+$0xC030] =	vst v60;
	v62 =	vadd.f32 v9, v1;
	(pc) =	sbr.rel @p0 .LBB2_2-.Ltmp4, $4  }
0xc0: {  	[tilespmem:s20+$0xC040] =	vst v61;
	v63 =	vadd.f32 v10, v0  }
0xc1: {  	s19 =	sshll.u32 s19, $0xF;
	[tilespmem:s20+$0xC050] =	vst v62  }
0xc2: {  	s19 =	sadd.s32 s19, s5;
	[tilespmem:s20+$0xC060] =	vst v63  }
0xc3: {  	[hbm4b:s19+s3] =	stream.linear.scatter [tilespmem:s12], [sflag:$0x4], $0x2000, $0x38;
	[tilespmem:$0xE000] =	vst v63  }
0xc4: {  	_ =	swait.ge [sflag:s13], $0x2000  }
0xc5: {  	[sflag:s13] =	ssyncset.done $0x0  }
0xc6: {  	[sflag:s13] =	ssyncadd.s32 $0xFFFFE000  }
0xc7: {  	_ =	swait.ge [sflag:s14], $0x2000  }
0xc8: {  	[sflag:s14] =	ssyncset.done $0x0  }
0xc9: {  	s17 =	sadd.s32 $0x1, s17;
	[sflag:s14] =	ssyncadd.s32 $0xFFFFE000  }
0xca: {  	p0 =	sne.s32 s17, s6;
	_ =	swait.ge [sflag:s15], $0x2000  }
.Ltmp5:
0xcb: {  	[sflag:s15] =	ssyncset.done $0x0;
	(pc) =	sbr.rel @p0 .LBB2_1-.Ltmp5, $4  }
0xcc: {  	[sflag:s15] =	ssyncadd.s32 $0xFFFFE000  }
0xcd: {  	_ =	swait.ge [sflag:s16], $0x2000  }
0xce: {  	[sflag:s16] =	ssyncset.done $0x0  }
0xcf: {  	[sflag:s16] =	ssyncadd.s32 $0xFFFFE000  }
0xd0: {  	_ =	sfence.sel $0x180000  }
0xd1: {  	[bflag:$0x0] =	sbarrier.arrive $0xFFFF  }
0xd2: {  	p0 =	sne.s32 s2, $0x0;
	_ =	strace $0x90000047  }
0xd3: {  	s0 =	sadd.s32 @!p0 $0x100000, s0;
	[bflag:$0x2] =	sbarrier.arrive $0xFFFF  }
0xd4: {  	[sflag:s0] =	ssyncadd.tile.s32 @!p0 $0x1;
	_ =	shalt  }
.Lfunc_end2:
_tile_overlayer_lowered:
.L_overlay_start_2:
0xd5: {  	(tag) =	ssettag $0x2  }
0xd6: {  	s0 =	rddreg [dreg:$0x0];
	s2 =	stileid.u32  }
0xd7: {  	s1 =	rddreg [dreg:$0x1];
	p0 =	sne.s32 s2, $0x0  }
0xd8: {  	s3 =	rddreg [dreg:$0x2];
	[bflag:$0x3] =	sbarrier.arrive $0xFFFF;
	s2 =	simm.s32 @!p0 $0x1C05  }
0xd9: {  	[timem:s3], [sflag:s2] =	dma.local @!p0 [hbm:s0], s1  }
0xda: {  	s0 =	simm.s32 @!p0 $0x5  }
0xdb: {  	_ =	swait.ge @!p0 [sflag:s0], s1  }
0xdc: {  	s1 =	ssub.s32 @!p0 $0x0, s1;
	[sflag:s0] =	ssyncset.done @!p0 $0x0  }
0xdd: {  	[sflag:s0] =	ssyncadd.s32 @!p0 s1  }
0xde: {  	[bflag:$0x3] =	sbarrier.arrive $0xFFFF  }
0xdf: {  	_ =	shalt  }

</sc_bundles>
